<compile_context>
chip_gen: v7x
topology: tpu7x:2x2x1
jax: 0.10.2.dev20260603
libtpu: 0.0.44.dev20260713+nightly
codegen_flags: <defaults>
</compile_context>

<pallas_src>
import functools

import jax
import jax.numpy as jnp
from jax import lax
from jax.experimental import pallas as pl
from jax.experimental.pallas import tpu as pltpu, tpu_sc as plsc

N = 10000
NP = 10240
E = 320000
D = 128
NC, NS = 2, 16
NW = NC * NS
EPW = E // NW
C = 128
KC = 80
EPWP = KC * C
KB = 40
NB = KC // KB
RPT = NP // NS

_MESH = plsc.VectorSubcoreMesh(core_axis_name="c", subcore_axis_name="s",
                               num_cores=NC, num_subcores=NS)


def _sc_body(compute_cnt, x_hbm, src_hbm, dst_hbm, *rest):
    if compute_cnt:
        (sum_out, cnt_out, src_v, dst_v, rows_v, rows2_v, zcnt_v, ones_v,
         sem, sem2, sem3, acc_sh, cnt_sh) = rest
    else:
        (sum_out, src_v, dst_v, rows_v, rows2_v, sem, sem2, acc_sh) = rest

    c = lax.axis_index("c")
    s = lax.axis_index("s")
    w = c * NS + s
    base_r = s * RPT

    def _zrow(i, carry):
        for k in range(D // 16):
            rows_v[i, pl.ds(k * 16, 16)] = jnp.zeros((16,), jnp.float32)
        return carry

    lax.fori_loop(0, C, _zrow, 0)
    for k in range(RPT // C):
        pltpu.sync_copy(rows_v, acc_sh.at[pl.ds(base_r + k * C, C)])

    if compute_cnt:
        def _zcnt(i, carry):
            zcnt_v[pl.ds(i * 16, 16)] = jnp.zeros((16,), jnp.float32)
            return carry

        lax.fori_loop(0, RPT // 16, _zcnt, 0)
        pltpu.sync_copy(zcnt_v, cnt_sh.at[pl.ds(base_r, RPT)])
        for k in range(C // 16):
            ones_v[pl.ds(k * 16, 16)] = jnp.ones((16,), jnp.float32)

    def _consume(j, buf):
        if compute_cnt:
            pltpu.async_copy(ones_v, cnt_sh.at[dst_v.at[j]], sem3, add=True)
        pltpu.sync_copy(buf, acc_sh.at[dst_v.at[j]], add=True)
        if compute_cnt:
            pltpu.make_async_copy(ones_v, cnt_sh.at[dst_v.at[0]], sem3).wait()

    def _drain(buf, sm):
        pltpu.make_async_copy(x_hbm.at[src_v.at[0]], buf, sm).wait()

    def _stage_idx(kb):
        pltpu.sync_copy(src_hbm.at[w, pl.ds(kb * KB, KB)], src_v)
        pltpu.sync_copy(dst_hbm.at[w, pl.ds(kb * KB, KB)], dst_v)

    def _pipe():
        def _step(i, carry2):
            j0 = 2 * i
            pltpu.async_copy(x_hbm.at[src_v.at[j0 + 1]], rows2_v, sem2)
            _drain(rows_v, sem)
            _consume(j0, rows_v)

            @pl.when(i < KB // 2 - 1)
            def _():
                pltpu.async_copy(x_hbm.at[src_v.at[j0 + 2]], rows_v, sem)

            _drain(rows2_v, sem2)
            _consume(j0 + 1, rows2_v)
            return carry2

        lax.fori_loop(0, KB // 2, _step, 0)

    _stage_idx(0)
    pltpu.async_copy(x_hbm.at[src_v.at[0]], rows_v, sem)
    plsc.subcore_barrier()
    _pipe()
    for kb in range(1, NB):
        _stage_idx(kb)
        pltpu.async_copy(x_hbm.at[src_v.at[0]], rows_v, sem)
        _pipe()

    plsc.subcore_barrier()

    pltpu.sync_copy(acc_sh.at[pl.ds(base_r, RPT)],
                    sum_out.at[c, pl.ds(base_r, RPT)])
    if compute_cnt:
        pltpu.sync_copy(cnt_sh.at[pl.ds(base_r, RPT)],
                        cnt_out.at[c, pl.ds(base_r, RPT)])


def _make_sc_agg(compute_cnt):
    out_type = [jax.ShapeDtypeStruct((NC, NP, D), jnp.float32)]
    scratch = [
        pltpu.VMEM((KB, C), jnp.int32),
        pltpu.VMEM((KB, C), jnp.int32),
        pltpu.VMEM((C, D), jnp.float32),
        pltpu.VMEM((C, D), jnp.float32),
    ]
    if compute_cnt:
        out_type.append(jax.ShapeDtypeStruct((NC, NP), jnp.float32))
        scratch.append(pltpu.VMEM((RPT,), jnp.float32))
        scratch.append(pltpu.VMEM((C,), jnp.float32))
    scratch.append(pltpu.SemaphoreType.DMA)
    scratch.append(pltpu.SemaphoreType.DMA)
    if compute_cnt:
        scratch.append(pltpu.SemaphoreType.DMA)
    scratch.append(pltpu.VMEM_SHARED((NP, D), jnp.float32))
    if compute_cnt:
        scratch.append(pltpu.VMEM_SHARED((NP,), jnp.float32))

    return pl.kernel(
        functools.partial(_sc_body, compute_cnt),
        out_type=tuple(out_type),
        mesh=_MESH,
        scratch_types=scratch,
    )


_sc_agg_cnt = _make_sc_agg(True)
_sc_agg = _make_sc_agg(False)

BT = 1280


def _tc_body(sp_ref, cp_ref, x_ref, wl_ref, wr_ref, b_ref, o_ref):
    summed = sp_ref[0] + sp_ref[1]
    cnt = cp_ref[0] + cp_ref[1]
    mean = summed * (1.0 / jnp.maximum(cnt, 1.0))[:, None]
    out = (jnp.dot(mean, wl_ref[...], preferred_element_type=jnp.float32)
           + jnp.dot(x_ref[...], wr_ref[...], preferred_element_type=jnp.float32)
           + b_ref[...])
    o_ref[...] = jnp.maximum(out, 0.0)


def _tc_layer(sp, cp, x, W_l, W_r, b, rows_out):
    return pl.pallas_call(
        _tc_body,
        grid=(NP // BT,),
        in_specs=[
            pl.BlockSpec((NC, BT, D), lambda i: (0, i, 0)),
            pl.BlockSpec((NC, BT), lambda i: (0, i)),
            pl.BlockSpec((BT, D), lambda i: (i, 0)),
            pl.BlockSpec((D, D), lambda i: (0, 0)),
            pl.BlockSpec((D, D), lambda i: (0, 0)),
            pl.BlockSpec((1, D), lambda i: (0, 0)),
        ],
        out_specs=pl.BlockSpec((BT, D), lambda i: (i, 0)),
        out_shape=jax.ShapeDtypeStruct((rows_out, D), jnp.float32),
    )(sp, cp, x, W_l, W_r, b)


def kernel(x, W0_l, b0_l, W0_r, b0_r, W1_l, b1_l, W1_r, b1_r, edge_index):
    pad = EPWP - EPW
    dummy_src = jnp.broadcast_to(jnp.arange(pad, dtype=jnp.int32) % N,
                                 (NW, pad))
    dummy_dst = jnp.broadcast_to(N + (jnp.arange(pad, dtype=jnp.int32)
                                      % (NP - N)), (NW, pad))
    src3d = jnp.concatenate([edge_index[0].reshape(NW, EPW), dummy_src],
                            axis=1).reshape(NW, KC, C)
    dst3d = jnp.concatenate([edge_index[1].reshape(NW, EPW), dummy_dst],
                            axis=1).reshape(NW, KC, C)

    sp1, cp = _sc_agg_cnt(x, src3d, dst3d)
    z1 = _tc_layer(sp1, cp, x, W0_l, W0_r, (b0_l + b0_r).reshape(1, D), NP)

    (sp2,) = _sc_agg(z1, src3d, dst3d)
    return _tc_layer(sp2, cp, z1, W1_l, W1_r, (b1_l + b1_r).reshape(1, D), N)

# --- scband reference (transcript-rebuilt; emitter-appended) ---
"""Pipeline reference for scband-graph-sage-57509612093516 (READ-ONLY COPY).

The authoritative reference and input builder live on the scoring server;
editing this copy changes nothing except your own understanding.
"""

import jax, jax.numpy as jnp
import numpy as np

N = 10000
E = 320000
D = 128
H = 128


def setup_inputs(seed: int = 0) -> dict:
    key = jax.random.key(seed)
    ks = jax.random.split(key, 12)
    x = jax.random.normal(ks[0], (N, D), dtype=jnp.float32)
    edge_index = jax.random.randint(ks[1], (2, E), 0, N, dtype=jnp.int32)
    s_in = 1.0 / np.sqrt(D)
    s_hid = 1.0 / np.sqrt(H)
    W0_l = jax.random.normal(ks[2], (D, H), dtype=jnp.float32) * s_in
    b0_l = jnp.zeros((H,), dtype=jnp.float32)
    W0_r = jax.random.normal(ks[3], (D, H), dtype=jnp.float32) * s_in
    b0_r = jnp.zeros((H,), dtype=jnp.float32)
    W1_l = jax.random.normal(ks[4], (H, H), dtype=jnp.float32) * s_hid
    b1_l = jnp.zeros((H,), dtype=jnp.float32)
    W1_r = jax.random.normal(ks[5], (H, H), dtype=jnp.float32) * s_hid
    b1_r = jnp.zeros((H,), dtype=jnp.float32)
    return {"x": x, "W0_l": W0_l, "b0_l": b0_l, "W0_r": W0_r, "b0_r": b0_r,
            "W1_l": W1_l, "b1_l": b1_l, "W1_r": W1_r, "b1_r": b1_r,
            "edge_index": edge_index}


def _sage_layer(x, edge_index, W_l, b_l, W_r, b_r):
    # SAGEConv with mean aggregation: out = lin_l(mean_{j in N(i)} x_j) + lin_r(x_i)
    src = edge_index[0]
    dst = edge_index[1]
    msgs = x[src]  # gather: [E, d]
    summed = jax.ops.segment_sum(msgs, dst, num_segments=N)
    cnt = jax.ops.segment_sum(jnp.ones((edge_index.shape[1],), dtype=x.dtype), dst, num_segments=N)
    mean = summed / jnp.clip(cnt, 1.0)[:, None]
    return mean @ W_l + b_l + x @ W_r + b_r


def reference(x, W0_l, b0_l, W0_r, b0_r, W1_l, b1_l, W1_r, b1_r, edge_index):
    z = jax.nn.relu(_sage_layer(x, edge_index, W0_l, b0_l, W0_r, b0_r))
    z = jax.nn.relu(_sage_layer(z, edge_index, W1_l, b1_l, W1_r, b1_r))
    return z

if __name__ == "__main__":
    import jax
    _d = setup_inputs()
    print(jax.jit(kernel)(*tuple(_d.values())))

</pallas_src>

<mosaic_0001>
#map = affine_map<(d0, d1) -> (0, 0)>
#map1 = affine_map<(d0, d1) -> (0, 0, 0)>
module attributes {stable_mosaic.version = 14 : i64} {
  func.func @_sc_body(%arg0: i32, %arg1: i32, %arg2: memref<10000x128xf32, #tpu.memory_space<hbm>>, %arg3: memref<32x80x128xi32, #tpu.memory_space<hbm>>, %arg4: memref<32x80x128xi32, #tpu.memory_space<hbm>>, %arg5: memref<2x10240x128xf32, #tpu.memory_space<hbm>>, %arg6: memref<2x10240xf32, #tpu.memory_space<hbm>>, %arg7: memref<40x128xi32, #tpu.memory_space<vmem>>, %arg8: memref<40x128xi32, #tpu.memory_space<vmem>>, %arg9: memref<128x128xf32, #tpu.memory_space<vmem>>, %arg10: memref<128x128xf32, #tpu.memory_space<vmem>>, %arg11: memref<640xf32, #tpu.memory_space<vmem>>, %arg12: memref<128xf32, #tpu.memory_space<vmem>>, %arg13: memref<!tpu.dma_semaphore, #tpu.memory_space<semaphore_mem>>, %arg14: memref<!tpu.dma_semaphore, #tpu.memory_space<semaphore_mem>>, %arg15: memref<!tpu.dma_semaphore, #tpu.memory_space<semaphore_mem>>, %arg16: memref<10240x128xf32, #tpu.memory_space<vmem_shared>>, %arg17: memref<10240xf32, #tpu.memory_space<vmem_shared>>) attributes {dimension_semantics = [#tpu.dimension_semantics<core_parallel>, #tpu.dimension_semantics<subcore_parallel>], iteration_bounds = array<i64: 2, 16>, scalar_prefetch = 0 : i64, scratch_operands = 11 : i64, tpu.core_type = #tpu.core_type<sc_vector_subcore>, window_params = [{transform_indices = #map}, {transform_indices = #map1}, {transform_indices = #map1}, {transform_indices = #map1}, {transform_indices = #map}]} {
    %mul3A = arith.constant 16 : i32
    %mul3A_0 = arith.muli %arg0, %mul3A : i32
    %add3A = arith.addi %mul3A_0, %arg1 : i32
    %mul3A_1 = arith.constant 640 : i32
    %mul3A_2 = arith.muli %arg1, %mul3A_1 : i32
    %scan3A = arith.constant 0 : i32
    %scan3A_3 = arith.constant 0 : i32
    %scan3A_4 = arith.constant 128 : i32
    %scan3A_5 = arith.addi %scan3A_3, %scan3A_4 : i32
    %scan3A_6 = arith.constant 1 : i32
    scf.for %scan3A_96 = %scan3A_3 to %scan3A_5 step %scan3A_6  : i32 {
      %broadcast_in_dim3A_97 = arith.constant 0.000000e+00 : f32
      %broadcast_in_dim3A_98 = vector.broadcast %broadcast_in_dim3A_97 : f32 to vector<16xf32>
      %swap3A_99 = arith.index_cast %scan3A_96 : i32 to index
      %swap3A_100 = arith.constant 0 : index
      %swap3A_101 = tpu.vector_load %arg9[%swap3A_99, %swap3A_100] {strides = array<i32>} : memref<128x128xf32, #tpu.memory_space<vmem>>, vector<1x16xf32>,
      %swap3A_102 = vector.shape_cast %swap3A_101 : vector<1x16xf32> to vector<16xf32>
      %swap3A_103 = vector.shape_cast %broadcast_in_dim3A_98 : vector<16xf32> to vector<1x16xf32>
      tpu.vector_store %arg9[%swap3A_99, %swap3A_100], %swap3A_103 {strides = array<i32>} : memref<128x128xf32, #tpu.memory_space<vmem>>, vector<1x16xf32>,
      %broadcast_in_dim3A_104 = arith.constant 0.000000e+00 : f32
      %broadcast_in_dim3A_105 = vector.broadcast %broadcast_in_dim3A_104 : f32 to vector<16xf32>
      %swap3A_106 = arith.index_cast %scan3A_96 : i32 to index
      %swap3A_107 = arith.constant 16 : index
      %swap3A_108 = tpu.vector_load %arg9[%swap3A_106, %swap3A_107] {strides = array<i32>} : memref<128x128xf32, #tpu.memory_space<vmem>>, vector<1x16xf32>,
      %swap3A_109 = vector.shape_cast %swap3A_108 : vector<1x16xf32> to vector<16xf32>
      %swap3A_110 = vector.shape_cast %broadcast_in_dim3A_105 : vector<16xf32> to vector<1x16xf32>
      tpu.vector_store %arg9[%swap3A_106, %swap3A_107], %swap3A_110 {strides = array<i32>} : memref<128x128xf32, #tpu.memory_space<vmem>>, vector<1x16xf32>,
      %broadcast_in_dim3A_111 = arith.constant 0.000000e+00 : f32
      %broadcast_in_dim3A_112 = vector.broadcast %broadcast_in_dim3A_111 : f32 to vector<16xf32>
      %swap3A_113 = arith.index_cast %scan3A_96 : i32 to index
      %swap3A_114 = arith.constant 32 : index
      %swap3A_115 = tpu.vector_load %arg9[%swap3A_113, %swap3A_114] {strides = array<i32>} : memref<128x128xf32, #tpu.memory_space<vmem>>, vector<1x16xf32>,
      %swap3A_116 = vector.shape_cast %swap3A_115 : vector<1x16xf32> to vector<16xf32>
      %swap3A_117 = vector.shape_cast %broadcast_in_dim3A_112 : vector<16xf32> to vector<1x16xf32>
      tpu.vector_store %arg9[%swap3A_113, %swap3A_114], %swap3A_117 {strides = array<i32>} : memref<128x128xf32, #tpu.memory_space<vmem>>, vector<1x16xf32>,
      %broadcast_in_dim3A_118 = arith.constant 0.000000e+00 : f32
      %broadcast_in_dim3A_119 = vector.broadcast %broadcast_in_dim3A_118 : f32 to vector<16xf32>
      %swap3A_120 = arith.index_cast %scan3A_96 : i32 to index
      %swap3A_121 = arith.constant 48 : index
      %swap3A_122 = tpu.vector_load %arg9[%swap3A_120, %swap3A_121] {strides = array<i32>} : memref<128x128xf32, #tpu.memory_space<vmem>>, vector<1x16xf32>,
      %swap3A_123 = vector.shape_cast %swap3A_122 : vector<1x16xf32> to vector<16xf32>
      %swap3A_124 = vector.shape_cast %broadcast_in_dim3A_119 : vector<16xf32> to vector<1x16xf32>
      tpu.vector_store %arg9[%swap3A_120, %swap3A_121], %swap3A_124 {strides = array<i32>} : memref<128x128xf32, #tpu.memory_space<vmem>>, vector<1x16xf32>,
      %broadcast_in_dim3A_125 = arith.constant 0.000000e+00 : f32
      %broadcast_in_dim3A_126 = vector.broadcast %broadcast_in_dim3A_125 : f32 to vector<16xf32>
      %swap3A_127 = arith.index_cast %scan3A_96 : i32 to index
      %swap3A_128 = arith.constant 64 : index
      %swap3A_129 = tpu.vector_load %arg9[%swap3A_127, %swap3A_128] {strides = array<i32>} : memref<128x128xf32, #tpu.memory_space<vmem>>, vector<1x16xf32>,
      %swap3A_130 = vector.shape_cast %swap3A_129 : vector<1x16xf32> to vector<16xf32>
      %swap3A_131 = vector.shape_cast %broadcast_in_dim3A_126 : vector<16xf32> to vector<1x16xf32>
      tpu.vector_store %arg9[%swap3A_127, %swap3A_128], %swap3A_131 {strides = array<i32>} : memref<128x128xf32, #tpu.memory_space<vmem>>, vector<1x16xf32>,
      %broadcast_in_dim3A_132 = arith.constant 0.000000e+00 : f32
      %broadcast_in_dim3A_133 = vector.broadcast %broadcast_in_dim3A_132 : f32 to vector<16xf32>
      %swap3A_134 = arith.index_cast %scan3A_96 : i32 to index
      %swap3A_135 = arith.constant 80 : index
      %swap3A_136 = tpu.vector_load %arg9[%swap3A_134, %swap3A_135] {strides = array<i32>} : memref<128x128xf32, #tpu.memory_space<vmem>>, vector<1x16xf32>,
      %swap3A_137 = vector.shape_cast %swap3A_136 : vector<1x16xf32> to vector<16xf32>
      %swap3A_138 = vector.shape_cast %broadcast_in_dim3A_133 : vector<16xf32> to vector<1x16xf32>
      tpu.vector_store %arg9[%swap3A_134, %swap3A_135], %swap3A_138 {strides = array<i32>} : memref<128x128xf32, #tpu.memory_space<vmem>>, vector<1x16xf32>,
      %broadcast_in_dim3A_139 = arith.constant 0.000000e+00 : f32
      %broadcast_in_dim3A_140 = vector.broadcast %broadcast_in_dim3A_139 : f32 to vector<16xf32>
      %swap3A_141 = arith.index_cast %scan3A_96 : i32 to index
      %swap3A_142 = arith.constant 96 : index
      %swap3A_143 = tpu.vector_load %arg9[%swap3A_141, %swap3A_142] {strides = array<i32>} : memref<128x128xf32, #tpu.memory_space<vmem>>, vector<1x16xf32>,
      %swap3A_144 = vector.shape_cast %swap3A_143 : vector<1x16xf32> to vector<16xf32>
      %swap3A_145 = vector.shape_cast %broadcast_in_dim3A_140 : vector<16xf32> to vector<1x16xf32>
      tpu.vector_store %arg9[%swap3A_141, %swap3A_142], %swap3A_145 {strides = array<i32>} : memref<128x128xf32, #tpu.memory_space<vmem>>, vector<1x16xf32>,
      %broadcast_in_dim3A_146 = arith.constant 0.000000e+00 : f32
      %broadcast_in_dim3A_147 = vector.broadcast %broadcast_in_dim3A_146 : f32 to vector<16xf32>
      %swap3A_148 = arith.index_cast %scan3A_96 : i32 to index
      %swap3A_149 = arith.constant 112 : index
      %swap3A_150 = tpu.vector_load %arg9[%swap3A_148, %swap3A_149] {strides = array<i32>} : memref<128x128xf32, #tpu.memory_space<vmem>>, vector<1x16xf32>,
      %swap3A_151 = vector.shape_cast %swap3A_150 : vector<1x16xf32> to vector<16xf32>
      %swap3A_152 = vector.shape_cast %broadcast_in_dim3A_147 : vector<16xf32> to vector<1x16xf32>
      tpu.vector_store %arg9[%swap3A_148, %swap3A_149], %swap3A_152 {strides = array<i32>} : memref<128x128xf32, #tpu.memory_space<vmem>>, vector<1x16xf32>,
    }
    %scan3A_7 = arith.constant 128 : i32
    %add3A_8 = arith.constant 0 : i32
    %add3A_9 = arith.addi %mul3A_2, %add3A_8 : i32
    "tpu.region"() ({
      %run_scoped3A = tpu.sem_alloc : memref<!tpu.dma_semaphore, #tpu.memory_space<semaphore_mem>>
      %dma_start3A_96 = arith.constant 0 : i32
      %dma_start3A_97 = tpu.memref_slice %arg16[%add3A_9, %dma_start3A_96] : memref<10240x128xf32, #tpu.memory_space<vmem_shared>> -> memref<128x128xf32, #tpu.memory_space<vmem_shared>>
      %dma_start3A_98 = arith.constant 0 : i32
      %dma_start3A_99 = tpu.memref_slice %arg16[%add3A_9, %dma_start3A_98] : memref<10240x128xf32, #tpu.memory_space<vmem_shared>> -> memref<128x128xf32, #tpu.memory_space<vmem_shared>>
      tpu.enqueue_dma source(%arg9 : memref<128x128xf32, #tpu.memory_space<vmem>>) target(%dma_start3A_99 : memref<128x128xf32, #tpu.memory_space<vmem_shared>>) target_semaphore(%run_scoped3A : memref<!tpu.dma_semaphore, #tpu.memory_space<semaphore_mem>>)
      %dma_wait3A = arith.constant 0 : i32
      %dma_wait3A_100 = tpu.memref_slice %arg16[%add3A_9, %dma_wait3A] : memref<10240x128xf32, #tpu.memory_space<vmem_shared>> -> memref<128x128xf32, #tpu.memory_space<vmem_shared>>
      %dma_wait3A_101 = arith.constant 0 : i32
      %dma_wait3A_102 = tpu.memref_slice %arg16[%add3A_9, %dma_wait3A_101] : memref<10240x128xf32, #tpu.memory_space<vmem_shared>> -> memref<128x128xf32, #tpu.memory_space<vmem_shared>>
      tpu.wait_dma2 semaphore(%run_scoped3A : memref<!tpu.dma_semaphore, #tpu.memory_space<semaphore_mem>>) src(%arg9 : memref<128x128xf32, #tpu.memory_space<vmem>>) dst(%dma_wait3A_102 : memref<128x128xf32, #tpu.memory_space<vmem_shared>>)
      tpu.yield
    }) : () -> ()
    %add3A_10 = arith.constant 128 : i32
    %add3A_11 = arith.addi %mul3A_2, %add3A_10 : i32
    "tpu.region"() ({
      %run_scoped3A = tpu.sem_alloc : memref<!tpu.dma_semaphore, #tpu.memory_space<semaphore_mem>>
      %dma_start3A_96 = arith.constant 0 : i32
      %dma_start3A_97 = tpu.memref_slice %arg16[%add3A_11, %dma_start3A_96] : memref<10240x128xf32, #tpu.memory_space<vmem_shared>> -> memref<128x128xf32, #tpu.memory_space<vmem_shared>>
      %dma_start3A_98 = arith.constant 0 : i32
      %dma_start3A_99 = tpu.memref_slice %arg16[%add3A_11, %dma_start3A_98] : memref<10240x128xf32, #tpu.memory_space<vmem_shared>> -> memref<128x128xf32, #tpu.memory_space<vmem_shared>>
      tpu.enqueue_dma source(%arg9 : memref<128x128xf32, #tpu.memory_space<vmem>>) target(%dma_start3A_99 : memref<128x128xf32, #tpu.memory_space<vmem_shared>>) target_semaphore(%run_scoped3A : memref<!tpu.dma_semaphore, #tpu.memory_space<semaphore_mem>>)
      %dma_wait3A = arith.constant 0 : i32
      %dma_wait3A_100 = tpu.memref_slice %arg16[%add3A_11, %dma_wait3A] : memref<10240x128xf32, #tpu.memory_space<vmem_shared>> -> memref<128x128xf32, #tpu.memory_space<vmem_shared>>
      %dma_wait3A_101 = arith.constant 0 : i32
      %dma_wait3A_102 = tpu.memref_slice %arg16[%add3A_11, %dma_wait3A_101] : memref<10240x128xf32, #tpu.memory_space<vmem_shared>> -> memref<128x128xf32, #tpu.memory_space<vmem_shared>>
      tpu.wait_dma2 semaphore(%run_scoped3A : memref<!tpu.dma_semaphore, #tpu.memory_space<semaphore_mem>>) src(%arg9 : memref<128x128xf32, #tpu.memory_space<vmem>>) dst(%dma_wait3A_102 : memref<128x128xf32, #tpu.memory_space<vmem_shared>>)
      tpu.yield
    }) : () -> ()
    %add3A_12 = arith.constant 256 : i32
    %add3A_13 = arith.addi %mul3A_2, %add3A_12 : i32
    "tpu.region"() ({
      %run_scoped3A = tpu.sem_alloc : memref<!tpu.dma_semaphore, #tpu.memory_space<semaphore_mem>>
      %dma_start3A_96 = arith.constant 0 : i32
      %dma_start3A_97 = tpu.memref_slice %arg16[%add3A_13, %dma_start3A_96] : memref<10240x128xf32, #tpu.memory_space<vmem_shared>> -> memref<128x128xf32, #tpu.memory_space<vmem_shared>>
      %dma_start3A_98 = arith.constant 0 : i32
      %dma_start3A_99 = tpu.memref_slice %arg16[%add3A_13, %dma_start3A_98] : memref<10240x128xf32, #tpu.memory_space<vmem_shared>> -> memref<128x128xf32, #tpu.memory_space<vmem_shared>>
      tpu.enqueue_dma source(%arg9 : memref<128x128xf32, #tpu.memory_space<vmem>>) target(%dma_start3A_99 : memref<128x128xf32, #tpu.memory_space<vmem_shared>>) target_semaphore(%run_scoped3A : memref<!tpu.dma_semaphore, #tpu.memory_space<semaphore_mem>>)
      %dma_wait3A = arith.constant 0 : i32
      %dma_wait3A_100 = tpu.memref_slice %arg16[%add3A_13, %dma_wait3A] : memref<10240x128xf32, #tpu.memory_space<vmem_shared>> -> memref<128x128xf32, #tpu.memory_space<vmem_shared>>
      %dma_wait3A_101 = arith.constant 0 : i32
      %dma_wait3A_102 = tpu.memref_slice %arg16[%add3A_13, %dma_wait3A_101] : memref<10240x128xf32, #tpu.memory_space<vmem_shared>> -> memref<128x128xf32, #tpu.memory_space<vmem_shared>>
      tpu.wait_dma2 semaphore(%run_scoped3A : memref<!tpu.dma_semaphore, #tpu.memory_space<semaphore_mem>>) src(%arg9 : memref<128x128xf32, #tpu.memory_space<vmem>>) dst(%dma_wait3A_102 : memref<128x128xf32, #tpu.memory_space<vmem_shared>>)
      tpu.yield
    }) : () -> ()
    %add3A_14 = arith.constant 384 : i32
    %add3A_15 = arith.addi %mul3A_2, %add3A_14 : i32
    "tpu.region"() ({
      %run_scoped3A = tpu.sem_alloc : memref<!tpu.dma_semaphore, #tpu.memory_space<semaphore_mem>>
      %dma_start3A_96 = arith.constant 0 : i32
      %dma_start3A_97 = tpu.memref_slice %arg16[%add3A_15, %dma_start3A_96] : memref<10240x128xf32, #tpu.memory_space<vmem_shared>> -> memref<128x128xf32, #tpu.memory_space<vmem_shared>>
      %dma_start3A_98 = arith.constant 0 : i32
      %dma_start3A_99 = tpu.memref_slice %arg16[%add3A_15, %dma_start3A_98] : memref<10240x128xf32, #tpu.memory_space<vmem_shared>> -> memref<128x128xf32, #tpu.memory_space<vmem_shared>>
      tpu.enqueue_dma source(%arg9 : memref<128x128xf32, #tpu.memory_space<vmem>>) target(%dma_start3A_99 : memref<128x128xf32, #tpu.memory_space<vmem_shared>>) target_semaphore(%run_scoped3A : memref<!tpu.dma_semaphore, #tpu.memory_space<semaphore_mem>>)
      %dma_wait3A = arith.constant 0 : i32
      %dma_wait3A_100 = tpu.memref_slice %arg16[%add3A_15, %dma_wait3A] : memref<10240x128xf32, #tpu.memory_space<vmem_shared>> -> memref<128x128xf32, #tpu.memory_space<vmem_shared>>
      %dma_wait3A_101 = arith.constant 0 : i32
      %dma_wait3A_102 = tpu.memref_slice %arg16[%add3A_15, %dma_wait3A_101] : memref<10240x128xf32, #tpu.memory_space<vmem_shared>> -> memref<128x128xf32, #tpu.memory_space<vmem_shared>>
      tpu.wait_dma2 semaphore(%run_scoped3A : memref<!tpu.dma_semaphore, #tpu.memory_space<semaphore_mem>>) src(%arg9 : memref<128x128xf32, #tpu.memory_space<vmem>>) dst(%dma_wait3A_102 : memref<128x128xf32, #tpu.memory_space<vmem_shared>>)
      tpu.yield
    }) : () -> ()
    %add3A_16 = arith.constant 512 : i32
    %add3A_17 = arith.addi %mul3A_2, %add3A_16 : i32
    "tpu.region"() ({
      %run_scoped3A = tpu.sem_alloc : memref<!tpu.dma_semaphore, #tpu.memory_space<semaphore_mem>>
      %dma_start3A_96 = arith.constant 0 : i32
      %dma_start3A_97 = tpu.memref_slice %arg16[%add3A_17, %dma_start3A_96] : memref<10240x128xf32, #tpu.memory_space<vmem_shared>> -> memref<128x128xf32, #tpu.memory_space<vmem_shared>>
      %dma_start3A_98 = arith.constant 0 : i32
      %dma_start3A_99 = tpu.memref_slice %arg16[%add3A_17, %dma_start3A_98] : memref<10240x128xf32, #tpu.memory_space<vmem_shared>> -> memref<128x128xf32, #tpu.memory_space<vmem_shared>>
      tpu.enqueue_dma source(%arg9 : memref<128x128xf32, #tpu.memory_space<vmem>>) target(%dma_start3A_99 : memref<128x128xf32, #tpu.memory_space<vmem_shared>>) target_semaphore(%run_scoped3A : memref<!tpu.dma_semaphore, #tpu.memory_space<semaphore_mem>>)
      %dma_wait3A = arith.constant 0 : i32
      %dma_wait3A_100 = tpu.memref_slice %arg16[%add3A_17, %dma_wait3A] : memref<10240x128xf32, #tpu.memory_space<vmem_shared>> -> memref<128x128xf32, #tpu.memory_space<vmem_shared>>
      %dma_wait3A_101 = arith.constant 0 : i32
      %dma_wait3A_102 = tpu.memref_slice %arg16[%add3A_17, %dma_wait3A_101] : memref<10240x128xf32, #tpu.memory_space<vmem_shared>> -> memref<128x128xf32, #tpu.memory_space<vmem_shared>>
      tpu.wait_dma2 semaphore(%run_scoped3A : memref<!tpu.dma_semaphore, #tpu.memory_space<semaphore_mem>>) src(%arg9 : memref<128x128xf32, #tpu.memory_space<vmem>>) dst(%dma_wait3A_102 : memref<128x128xf32, #tpu.memory_space<vmem_shared>>)
      tpu.yield
    }) : () -> ()
    %scan3A_18 = arith.constant 0 : i32
    %scan3A_19 = arith.constant 0 : i32
    %scan3A_20 = arith.constant 40 : i32
    %scan3A_21 = arith.addi %scan3A_19, %scan3A_20 : i32
    %scan3A_22 = arith.constant 1 : i32
    scf.for %scan3A_96 = %scan3A_19 to %scan3A_21 step %scan3A_22  : i32 {
      %broadcast_in_dim3A_97 = arith.constant 0.000000e+00 : f32
      %broadcast_in_dim3A_98 = vector.broadcast %broadcast_in_dim3A_97 : f32 to vector<16xf32>
      %mul3A_99 = arith.constant 16 : i32
      %mul3A_100 = arith.muli %scan3A_96, %mul3A_99 : i32
      %swap3A_101 = arith.index_cast %mul3A_100 : i32 to index
      %swap3A_102 = tpu.vector_load %arg11[%swap3A_101] {strides = array<i32>} : memref<640xf32, #tpu.memory_space<vmem>>, vector<16xf32>,
      %swap3A_103 = vector.shape_cast %swap3A_102 : vector<16xf32> to vector<16xf32>
      %swap3A_104 = vector.shape_cast %broadcast_in_dim3A_98 : vector<16xf32> to vector<16xf32>
      tpu.vector_store %arg11[%swap3A_101], %swap3A_104 {strides = array<i32>} : memref<640xf32, #tpu.memory_space<vmem>>, vector<16xf32>,
    }
    %scan3A_23 = arith.constant 40 : i32
    "tpu.region"() ({
      %run_scoped3A = tpu.sem_alloc : memref<!tpu.dma_semaphore, #tpu.memory_space<semaphore_mem>>
      %dma_start3A_96 = tpu.memref_slice %arg17[%mul3A_2] : memref<10240xf32, #tpu.memory_space<vmem_shared>> -> memref<640xf32, #tpu.memory_space<vmem_shared>>
      %dma_start3A_97 = tpu.memref_slice %arg17[%mul3A_2] : memref<10240xf32, #tpu.memory_space<vmem_shared>> -> memref<640xf32, #tpu.memory_space<vmem_shared>>
      tpu.enqueue_dma source(%arg11 : memref<640xf32, #tpu.memory_space<vmem>>) target(%dma_start3A_97 : memref<640xf32, #tpu.memory_space<vmem_shared>>) target_semaphore(%run_scoped3A : memref<!tpu.dma_semaphore, #tpu.memory_space<semaphore_mem>>)
      %dma_wait3A = tpu.memref_slice %arg17[%mul3A_2] : memref<10240xf32, #tpu.memory_space<vmem_shared>> -> memref<640xf32, #tpu.memory_space<vmem_shared>>
      %dma_wait3A_98 = tpu.memref_slice %arg17[%mul3A_2] : memref<10240xf32, #tpu.memory_space<vmem_shared>> -> memref<640xf32, #tpu.memory_space<vmem_shared>>
      tpu.wait_dma2 semaphore(%run_scoped3A : memref<!tpu.dma_semaphore, #tpu.memory_space<semaphore_mem>>) src(%arg11 : memref<640xf32, #tpu.memory_space<vmem>>) dst(%dma_wait3A_98 : memref<640xf32, #tpu.memory_space<vmem_shared>>)
      tpu.yield
    }) : () -> ()
    %broadcast_in_dim3A = arith.constant 1.000000e+00 : f32
    %broadcast_in_dim3A_24 = vector.broadcast %broadcast_in_dim3A : f32 to vector<16xf32>
    %swap3A = arith.constant 0 : index
    %swap3A_25 = tpu.vector_load %arg12[%swap3A] {strides = array<i32>} : memref<128xf32, #tpu.memory_space<vmem>>, vector<16xf32>,
    %swap3A_26 = vector.shape_cast %swap3A_25 : vector<16xf32> to vector<16xf32>
    %swap3A_27 = vector.shape_cast %broadcast_in_dim3A_24 : vector<16xf32> to vector<16xf32>
    tpu.vector_store %arg12[%swap3A], %swap3A_27 {strides = array<i32>} : memref<128xf32, #tpu.memory_space<vmem>>, vector<16xf32>,
    %broadcast_in_dim3A_28 = arith.constant 1.000000e+00 : f32
    %broadcast_in_dim3A_29 = vector.broadcast %broadcast_in_dim3A_28 : f32 to vector<16xf32>
    %swap3A_30 = arith.constant 16 : index
    %swap3A_31 = tpu.vector_load %arg12[%swap3A_30] {strides = array<i32>} : memref<128xf32, #tpu.memory_space<vmem>>, vector<16xf32>,
    %swap3A_32 = vector.shape_cast %swap3A_31 : vector<16xf32> to vector<16xf32>
    %swap3A_33 = vector.shape_cast %broadcast_in_dim3A_29 : vector<16xf32> to vector<16xf32>
    tpu.vector_store %arg12[%swap3A_30], %swap3A_33 {strides = array<i32>} : memref<128xf32, #tpu.memory_space<vmem>>, vector<16xf32>,
    %broadcast_in_dim3A_34 = arith.constant 1.000000e+00 : f32
    %broadcast_in_dim3A_35 = vector.broadcast %broadcast_in_dim3A_34 : f32 to vector<16xf32>
    %swap3A_36 = arith.constant 32 : index
    %swap3A_37 = tpu.vector_load %arg12[%swap3A_36] {strides = array<i32>} : memref<128xf32, #tpu.memory_space<vmem>>, vector<16xf32>,
    %swap3A_38 = vector.shape_cast %swap3A_37 : vector<16xf32> to vector<16xf32>
    %swap3A_39 = vector.shape_cast %broadcast_in_dim3A_35 : vector<16xf32> to vector<16xf32>
    tpu.vector_store %arg12[%swap3A_36], %swap3A_39 {strides = array<i32>} : memref<128xf32, #tpu.memory_space<vmem>>, vector<16xf32>,
    %broadcast_in_dim3A_40 = arith.constant 1.000000e+00 : f32
    %broadcast_in_dim3A_41 = vector.broadcast %broadcast_in_dim3A_40 : f32 to vector<16xf32>
    %swap3A_42 = arith.constant 48 : index
    %swap3A_43 = tpu.vector_load %arg12[%swap3A_42] {strides = array<i32>} : memref<128xf32, #tpu.memory_space<vmem>>, vector<16xf32>,
    %swap3A_44 = vector.shape_cast %swap3A_43 : vector<16xf32> to vector<16xf32>
    %swap3A_45 = vector.shape_cast %broadcast_in_dim3A_41 : vector<16xf32> to vector<16xf32>
    tpu.vector_store %arg12[%swap3A_42], %swap3A_45 {strides = array<i32>} : memref<128xf32, #tpu.memory_space<vmem>>, vector<16xf32>,
    %broadcast_in_dim3A_46 = arith.constant 1.000000e+00 : f32
    %broadcast_in_dim3A_47 = vector.broadcast %broadcast_in_dim3A_46 : f32 to vector<16xf32>
    %swap3A_48 = arith.constant 64 : index
    %swap3A_49 = tpu.vector_load %arg12[%swap3A_48] {strides = array<i32>} : memref<128xf32, #tpu.memory_space<vmem>>, vector<16xf32>,
    %swap3A_50 = vector.shape_cast %swap3A_49 : vector<16xf32> to vector<16xf32>
    %swap3A_51 = vector.shape_cast %broadcast_in_dim3A_47 : vector<16xf32> to vector<16xf32>
    tpu.vector_store %arg12[%swap3A_48], %swap3A_51 {strides = array<i32>} : memref<128xf32, #tpu.memory_space<vmem>>, vector<16xf32>,
    %broadcast_in_dim3A_52 = arith.constant 1.000000e+00 : f32
    %broadcast_in_dim3A_53 = vector.broadcast %broadcast_in_dim3A_52 : f32 to vector<16xf32>
    %swap3A_54 = arith.constant 80 : index
    %swap3A_55 = tpu.vector_load %arg12[%swap3A_54] {strides = array<i32>} : memref<128xf32, #tpu.memory_space<vmem>>, vector<16xf32>,
    %swap3A_56 = vector.shape_cast %swap3A_55 : vector<16xf32> to vector<16xf32>
    %swap3A_57 = vector.shape_cast %broadcast_in_dim3A_53 : vector<16xf32> to vector<16xf32>
    tpu.vector_store %arg12[%swap3A_54], %swap3A_57 {strides = array<i32>} : memref<128xf32, #tpu.memory_space<vmem>>, vector<16xf32>,
    %broadcast_in_dim3A_58 = arith.constant 1.000000e+00 : f32
    %broadcast_in_dim3A_59 = vector.broadcast %broadcast_in_dim3A_58 : f32 to vector<16xf32>
    %swap3A_60 = arith.constant 96 : index
    %swap3A_61 = tpu.vector_load %arg12[%swap3A_60] {strides = array<i32>} : memref<128xf32, #tpu.memory_space<vmem>>, vector<16xf32>,
    %swap3A_62 = vector.shape_cast %swap3A_61 : vector<16xf32> to vector<16xf32>
    %swap3A_63 = vector.shape_cast %broadcast_in_dim3A_59 : vector<16xf32> to vector<16xf32>
    tpu.vector_store %arg12[%swap3A_60], %swap3A_63 {strides = array<i32>} : memref<128xf32, #tpu.memory_space<vmem>>, vector<16xf32>,
    %broadcast_in_dim3A_64 = arith.constant 1.000000e+00 : f32
    %broadcast_in_dim3A_65 = vector.broadcast %broadcast_in_dim3A_64 : f32 to vector<16xf32>
    %swap3A_66 = arith.constant 112 : index
    %swap3A_67 = tpu.vector_load %arg12[%swap3A_66] {strides = array<i32>} : memref<128xf32, #tpu.memory_space<vmem>>, vector<16xf32>,
    %swap3A_68 = vector.shape_cast %swap3A_67 : vector<16xf32> to vector<16xf32>
    %swap3A_69 = vector.shape_cast %broadcast_in_dim3A_65 : vector<16xf32> to vector<16xf32>
    tpu.vector_store %arg12[%swap3A_66], %swap3A_69 {strides = array<i32>} : memref<128xf32, #tpu.memory_space<vmem>>, vector<16xf32>,
    "tpu.region"() ({
      %run_scoped3A = tpu.sem_alloc : memref<!tpu.dma_semaphore, #tpu.memory_space<semaphore_mem>>
      %dma_start3A_96 = arith.constant 0 : i32
      %dma_start3A_97 = arith.constant 0 : i32
      %dma_start3A_98 = tpu.memref_slice %arg3[%add3A, %dma_start3A_96, %dma_start3A_97] : memref<32x80x128xi32, #tpu.memory_space<hbm>> -> memref<1x40x128xi32, #tpu.memory_space<hbm>>
      %dma_start3A_99 = tpu.memref_squeeze %dma_start3A_98 : memref<1x40x128xi32, #tpu.memory_space<hbm>> -> memref<40x128xi32, #tpu.memory_space<hbm>>
      %dma_start3A_100 = arith.constant 0 : i32
      %dma_start3A_101 = arith.constant 0 : i32
      %dma_start3A_102 = tpu.memref_slice %arg3[%add3A, %dma_start3A_100, %dma_start3A_101] : memref<32x80x128xi32, #tpu.memory_space<hbm>> -> memref<1x40x128xi32, #tpu.memory_space<hbm>>
      %dma_start3A_103 = tpu.memref_squeeze %dma_start3A_102 : memref<1x40x128xi32, #tpu.memory_space<hbm>> -> memref<40x128xi32, #tpu.memory_space<hbm>>
      tpu.enqueue_dma source(%dma_start3A_103 : memref<40x128xi32, #tpu.memory_space<hbm>>) target(%arg7 : memref<40x128xi32, #tpu.memory_space<vmem>>) target_semaphore(%run_scoped3A : memref<!tpu.dma_semaphore, #tpu.memory_space<semaphore_mem>>)
      %dma_wait3A = arith.constant 0 : i32
      %dma_wait3A_104 = arith.constant 0 : i32
      %dma_wait3A_105 = tpu.memref_slice %arg3[%add3A, %dma_wait3A, %dma_wait3A_104] : memref<32x80x128xi32, #tpu.memory_space<hbm>> -> memref<1x40x128xi32, #tpu.memory_space<hbm>>
      %dma_wait3A_106 = tpu.memref_squeeze %dma_wait3A_105 : memref<1x40x128xi32, #tpu.memory_space<hbm>> -> memref<40x128xi32, #tpu.memory_space<hbm>>
      %dma_wait3A_107 = arith.constant 0 : i32
      %dma_wait3A_108 = arith.constant 0 : i32
      %dma_wait3A_109 = tpu.memref_slice %arg3[%add3A, %dma_wait3A_107, %dma_wait3A_108] : memref<32x80x128xi32, #tpu.memory_space<hbm>> -> memref<1x40x128xi32, #tpu.memory_space<hbm>>
      %dma_wait3A_110 = tpu.memref_squeeze %dma_wait3A_109 : memref<1x40x128xi32, #tpu.memory_space<hbm>> -> memref<40x128xi32, #tpu.memory_space<hbm>>
      tpu.wait_dma2 semaphore(%run_scoped3A : memref<!tpu.dma_semaphore, #tpu.memory_space<semaphore_mem>>) src(%dma_wait3A_110 : memref<40x128xi32, #tpu.memory_space<hbm>>) dst(%arg7 : memref<40x128xi32, #tpu.memory_space<vmem>>)
      tpu.yield
    }) : () -> ()
    "tpu.region"() ({
      %run_scoped3A = tpu.sem_alloc : memref<!tpu.dma_semaphore, #tpu.memory_space<semaphore_mem>>
      %dma_start3A_96 = arith.constant 0 : i32
      %dma_start3A_97 = arith.constant 0 : i32
      %dma_start3A_98 = tpu.memref_slice %arg4[%add3A, %dma_start3A_96, %dma_start3A_97] : memref<32x80x128xi32, #tpu.memory_space<hbm>> -> memref<1x40x128xi32, #tpu.memory_space<hbm>>
      %dma_start3A_99 = tpu.memref_squeeze %dma_start3A_98 : memref<1x40x128xi32, #tpu.memory_space<hbm>> -> memref<40x128xi32, #tpu.memory_space<hbm>>
      %dma_start3A_100 = arith.constant 0 : i32
      %dma_start3A_101 = arith.constant 0 : i32
      %dma_start3A_102 = tpu.memref_slice %arg4[%add3A, %dma_start3A_100, %dma_start3A_101] : memref<32x80x128xi32, #tpu.memory_space<hbm>> -> memref<1x40x128xi32, #tpu.memory_space<hbm>>
      %dma_start3A_103 = tpu.memref_squeeze %dma_start3A_102 : memref<1x40x128xi32, #tpu.memory_space<hbm>> -> memref<40x128xi32, #tpu.memory_space<hbm>>
      tpu.enqueue_dma source(%dma_start3A_103 : memref<40x128xi32, #tpu.memory_space<hbm>>) target(%arg8 : memref<40x128xi32, #tpu.memory_space<vmem>>) target_semaphore(%run_scoped3A : memref<!tpu.dma_semaphore, #tpu.memory_space<semaphore_mem>>)
      %dma_wait3A = arith.constant 0 : i32
      %dma_wait3A_104 = arith.constant 0 : i32
      %dma_wait3A_105 = tpu.memref_slice %arg4[%add3A, %dma_wait3A, %dma_wait3A_104] : memref<32x80x128xi32, #tpu.memory_space<hbm>> -> memref<1x40x128xi32, #tpu.memory_space<hbm>>
      %dma_wait3A_106 = tpu.memref_squeeze %dma_wait3A_105 : memref<1x40x128xi32, #tpu.memory_space<hbm>> -> memref<40x128xi32, #tpu.memory_space<hbm>>
      %dma_wait3A_107 = arith.constant 0 : i32
      %dma_wait3A_108 = arith.constant 0 : i32
      %dma_wait3A_109 = tpu.memref_slice %arg4[%add3A, %dma_wait3A_107, %dma_wait3A_108] : memref<32x80x128xi32, #tpu.memory_space<hbm>> -> memref<1x40x128xi32, #tpu.memory_space<hbm>>
      %dma_wait3A_110 = tpu.memref_squeeze %dma_wait3A_109 : memref<1x40x128xi32, #tpu.memory_space<hbm>> -> memref<40x128xi32, #tpu.memory_space<hbm>>
      tpu.wait_dma2 semaphore(%run_scoped3A : memref<!tpu.dma_semaphore, #tpu.memory_space<semaphore_mem>>) src(%dma_wait3A_110 : memref<40x128xi32, #tpu.memory_space<hbm>>) dst(%arg8 : memref<40x128xi32, #tpu.memory_space<vmem>>)
      tpu.yield
    }) : () -> ()
    %dma_start3A = arith.constant 0 : i32
    %dma_start3A_70 = arith.constant 0 : i32
    %dma_start3A_71 = tpu.memref_slice %arg7[%dma_start3A, %dma_start3A_70] : memref<40x128xi32, #tpu.memory_space<vmem>> -> memref<1x128xi32, #tpu.memory_space<vmem>>
    %dma_start3A_72 = tpu.memref_squeeze %dma_start3A_71 : memref<1x128xi32, #tpu.memory_space<vmem>> -> memref<128xi32, #tpu.memory_space<vmem>>
    %dma_start3A_73 = arith.constant 0 : i32
    %dma_start3A_74 = arith.constant 0 : i32
    %dma_start3A_75 = tpu.memref_slice %arg2[%dma_start3A_73, %dma_start3A_74] : memref<10000x128xf32, #tpu.memory_space<hbm>> -> memref<10000x128xf32, #tpu.memory_space<hbm>>
    tpu.enqueue_indirect_dma source(%dma_start3A_75 : memref<10000x128xf32, #tpu.memory_space<hbm>>) target(%arg9 : memref<128x128xf32, #tpu.memory_space<vmem>>) offsets(%dma_start3A_72 : memref<128xi32, #tpu.memory_space<vmem>>) semaphore(%arg13 : memref<!tpu.dma_semaphore, #tpu.memory_space<semaphore_mem>>)
    %barrier3A = arith.constant 0 : index
    tpu.barrier barrier_id(%barrier3A)
    %scan3A_76 = arith.constant 0 : i32
    %scan3A_77 = arith.constant 0 : i32
    %scan3A_78 = arith.constant 20 : i32
    %scan3A_79 = arith.addi %scan3A_77, %scan3A_78 : i32
    %scan3A_80 = arith.constant 1 : i32
    scf.for %scan3A_96 = %scan3A_77 to %scan3A_79 step %scan3A_80  : i32 {
      %mul3A_97 = arith.constant 2 : i32
      %mul3A_98 = arith.muli %mul3A_97, %scan3A_96 : i32
      %add3A_99 = arith.constant 1 : i32
      %add3A_100 = arith.addi %mul3A_98, %add3A_99 : i32
      %dma_start3A_101 = arith.constant 0 : i32
      %dma_start3A_102 = tpu.memref_slice %arg7[%add3A_100, %dma_start3A_101] : memref<40x128xi32, #tpu.memory_space<vmem>> -> memref<1x128xi32, #tpu.memory_space<vmem>>
      %dma_start3A_103 = tpu.memref_squeeze %dma_start3A_102 : memref<1x128xi32, #tpu.memory_space<vmem>> -> memref<128xi32, #tpu.memory_space<vmem>>
      %dma_start3A_104 = arith.constant 0 : i32
      %dma_start3A_105 = arith.constant 0 : i32
      %dma_start3A_106 = tpu.memref_slice %arg2[%dma_start3A_104, %dma_start3A_105] : memref<10000x128xf32, #tpu.memory_space<hbm>> -> memref<10000x128xf32, #tpu.memory_space<hbm>>
      tpu.enqueue_indirect_dma source(%dma_start3A_106 : memref<10000x128xf32, #tpu.memory_space<hbm>>) target(%arg10 : memref<128x128xf32, #tpu.memory_space<vmem>>) offsets(%dma_start3A_103 : memref<128xi32, #tpu.memory_space<vmem>>) semaphore(%arg14 : memref<!tpu.dma_semaphore, #tpu.memory_space<semaphore_mem>>)
      %dma_wait3A = arith.constant 0 : i32
      %dma_wait3A_107 = arith.constant 0 : i32
      %dma_wait3A_108 = tpu.memref_slice %arg7[%dma_wait3A, %dma_wait3A_107] : memref<40x128xi32, #tpu.memory_space<vmem>> -> memref<1x128xi32, #tpu.memory_space<vmem>>
      %dma_wait3A_109 = tpu.memref_squeeze %dma_wait3A_108 : memref<1x128xi32, #tpu.memory_space<vmem>> -> memref<128xi32, #tpu.memory_space<vmem>>
      %dma_wait3A_110 = arith.constant 0 : i32
      %dma_wait3A_111 = arith.constant 0 : i32
      %dma_wait3A_112 = tpu.memref_slice %arg2[%dma_wait3A_110, %dma_wait3A_111] : memref<10000x128xf32, #tpu.memory_space<hbm>> -> memref<10000x128xf32, #tpu.memory_space<hbm>>
      tpu.wait_indirect_dma semaphore(%arg13 : memref<!tpu.dma_semaphore, #tpu.memory_space<semaphore_mem>>) src(%dma_wait3A_112 : memref<10000x128xf32, #tpu.memory_space<hbm>>) dst(%arg9 : memref<128x128xf32, #tpu.memory_space<vmem>>)
      %dma_start3A_113 = arith.constant 0 : i32
      %dma_start3A_114 = tpu.memref_slice %arg8[%mul3A_98, %dma_start3A_113] : memref<40x128xi32, #tpu.memory_space<vmem>> -> memref<1x128xi32, #tpu.memory_space<vmem>>
      %dma_start3A_115 = tpu.memref_squeeze %dma_start3A_114 : memref<1x128xi32, #tpu.memory_space<vmem>> -> memref<128xi32, #tpu.memory_space<vmem>>
      %dma_start3A_116 = arith.constant 0 : i32
      %dma_start3A_117 = tpu.memref_slice %arg17[%dma_start3A_116] : memref<10240xf32, #tpu.memory_space<vmem_shared>> -> memref<10240xf32, #tpu.memory_space<vmem_shared>>
      tpu.enqueue_indirect_dma source(%arg12 : memref<128xf32, #tpu.memory_space<vmem>>) target(%dma_start3A_117 : memref<10240xf32, #tpu.memory_space<vmem_shared>>) offsets(%dma_start3A_115 : memref<128xi32, #tpu.memory_space<vmem>>) semaphore(%arg15 : memref<!tpu.dma_semaphore, #tpu.memory_space<semaphore_mem>>) {add = true}
      "tpu.region"() ({
        %run_scoped3A = tpu.sem_alloc : memref<!tpu.dma_semaphore, #tpu.memory_space<semaphore_mem>>
        %dma_start3A_146 = arith.constant 0 : i32
        %dma_start3A_147 = tpu.memref_slice %arg8[%mul3A_98, %dma_start3A_146] : memref<40x128xi32, #tpu.memory_space<vmem>> -> memref<1x128xi32, #tpu.memory_space<vmem>>
        %dma_start3A_148 = tpu.memref_squeeze %dma_start3A_147 : memref<1x128xi32, #tpu.memory_space<vmem>> -> memref<128xi32, #tpu.memory_space<vmem>>
        %dma_start3A_149 = arith.constant 0 : i32
        %dma_start3A_150 = arith.constant 0 : i32
        %dma_start3A_151 = tpu.memref_slice %arg16[%dma_start3A_149, %dma_start3A_150] : memref<10240x128xf32, #tpu.memory_space<vmem_shared>> -> memref<10240x128xf32, #tpu.memory_space<vmem_shared>>
        tpu.enqueue_indirect_dma source(%arg9 : memref<128x128xf32, #tpu.memory_space<vmem>>) target(%dma_start3A_151 : memref<10240x128xf32, #tpu.memory_space<vmem_shared>>) offsets(%dma_start3A_148 : memref<128xi32, #tpu.memory_space<vmem>>) semaphore(%run_scoped3A : memref<!tpu.dma_semaphore, #tpu.memory_space<semaphore_mem>>) {add = true}
        %dma_wait3A_152 = arith.constant 0 : i32
        %dma_wait3A_153 = tpu.memref_slice %arg8[%mul3A_98, %dma_wait3A_152] : memref<40x128xi32, #tpu.memory_space<vmem>> -> memref<1x128xi32, #tpu.memory_space<vmem>>
        %dma_wait3A_154 = tpu.memref_squeeze %dma_wait3A_153 : memref<1x128xi32, #tpu.memory_space<vmem>> -> memref<128xi32, #tpu.memory_space<vmem>>
        %dma_wait3A_155 = arith.constant 0 : i32
        %dma_wait3A_156 = arith.constant 0 : i32
        %dma_wait3A_157 = tpu.memref_slice %arg16[%dma_wait3A_155, %dma_wait3A_156] : memref<10240x128xf32, #tpu.memory_space<vmem_shared>> -> memref<10240x128xf32, #tpu.memory_space<vmem_shared>>
        tpu.wait_indirect_dma semaphore(%run_scoped3A : memref<!tpu.dma_semaphore, #tpu.memory_space<semaphore_mem>>) src(%arg9 : memref<128x128xf32, #tpu.memory_space<vmem>>) dst(%dma_wait3A_157 : memref<10240x128xf32, #tpu.memory_space<vmem_shared>>)
        tpu.yield
      }) : () -> ()
      %dma_wait3A_118 = arith.constant 0 : i32
      %dma_wait3A_119 = arith.constant 0 : i32
      %dma_wait3A_120 = tpu.memref_slice %arg8[%dma_wait3A_118, %dma_wait3A_119] : memref<40x128xi32, #tpu.memory_space<vmem>> -> memref<1x128xi32, #tpu.memory_space<vmem>>
      %dma_wait3A_121 = tpu.memref_squeeze %dma_wait3A_120 : memref<1x128xi32, #tpu.memory_space<vmem>> -> memref<128xi32, #tpu.memory_space<vmem>>
      %dma_wait3A_122 = arith.constant 0 : i32
      %dma_wait3A_123 = tpu.memref_slice %arg17[%dma_wait3A_122] : memref<10240xf32, #tpu.memory_space<vmem_shared>> -> memref<10240xf32, #tpu.memory_space<vmem_shared>>
      tpu.wait_indirect_dma semaphore(%arg15 : memref<!tpu.dma_semaphore, #tpu.memory_space<semaphore_mem>>) src(%arg12 : memref<128xf32, #tpu.memory_space<vmem>>) dst(%dma_wait3A_123 : memref<10240xf32, #tpu.memory_space<vmem_shared>>)
      %lt3A = arith.constant 19 : i32
      %lt3A_124 = arith.cmpi slt, %scan3A_96, %lt3A : i32
      %convert_element_type3A = arith.extui %lt3A_124 : i1 to i32
      %cond3A = arith.constant 0 : i32
      %cond3A_125 = arith.cmpi ne, %convert_element_type3A, %cond3A : i32
      scf.if %cond3A_125 {
        %add3A_146 = arith.constant 2 : i32
        %add3A_147 = arith.addi %mul3A_98, %add3A_146 : i32
        %dma_start3A_148 = arith.constant 0 : i32
        %dma_start3A_149 = tpu.memref_slice %arg7[%add3A_147, %dma_start3A_148] : memref<40x128xi32, #tpu.memory_space<vmem>> -> memref<1x128xi32, #tpu.memory_space<vmem>>
        %dma_start3A_150 = tpu.memref_squeeze %dma_start3A_149 : memref<1x128xi32, #tpu.memory_space<vmem>> -> memref<128xi32, #tpu.memory_space<vmem>>
        %dma_start3A_151 = arith.constant 0 : i32
        %dma_start3A_152 = arith.constant 0 : i32
        %dma_start3A_153 = tpu.memref_slice %arg2[%dma_start3A_151, %dma_start3A_152] : memref<10000x128xf32, #tpu.memory_space<hbm>> -> memref<10000x128xf32, #tpu.memory_space<hbm>>
        tpu.enqueue_indirect_dma source(%dma_start3A_153 : memref<10000x128xf32, #tpu.memory_space<hbm>>) target(%arg9 : memref<128x128xf32, #tpu.memory_space<vmem>>) offsets(%dma_start3A_150 : memref<128xi32, #tpu.memory_space<vmem>>) semaphore(%arg13 : memref<!tpu.dma_semaphore, #tpu.memory_space<semaphore_mem>>)
      } else {
      }
      %dma_wait3A_126 = arith.constant 0 : i32
      %dma_wait3A_127 = arith.constant 0 : i32
      %dma_wait3A_128 = tpu.memref_slice %arg7[%dma_wait3A_126, %dma_wait3A_127] : memref<40x128xi32, #tpu.memory_space<vmem>> -> memref<1x128xi32, #tpu.memory_space<vmem>>
      %dma_wait3A_129 = tpu.memref_squeeze %dma_wait3A_128 : memref<1x128xi32, #tpu.memory_space<vmem>> -> memref<128xi32, #tpu.memory_space<vmem>>
      %dma_wait3A_130 = arith.constant 0 : i32
      %dma_wait3A_131 = arith.constant 0 : i32
      %dma_wait3A_132 = tpu.memref_slice %arg2[%dma_wait3A_130, %dma_wait3A_131] : memref<10000x128xf32, #tpu.memory_space<hbm>> -> memref<10000x128xf32, #tpu.memory_space<hbm>>
      tpu.wait_indirect_dma semaphore(%arg14 : memref<!tpu.dma_semaphore, #tpu.memory_space<semaphore_mem>>) src(%dma_wait3A_132 : memref<10000x128xf32, #tpu.memory_space<hbm>>) dst(%arg10 : memref<128x128xf32, #tpu.memory_space<vmem>>)
      %add3A_133 = arith.constant 1 : i32
      %add3A_134 = arith.addi %mul3A_98, %add3A_133 : i32
      %dma_start3A_135 = arith.constant 0 : i32
      %dma_start3A_136 = tpu.memref_slice %arg8[%add3A_134, %dma_start3A_135] : memref<40x128xi32, #tpu.memory_space<vmem>> -> memref<1x128xi32, #tpu.memory_space<vmem>>
      %dma_start3A_137 = tpu.memref_squeeze %dma_start3A_136 : memref<1x128xi32, #tpu.memory_space<vmem>> -> memref<128xi32, #tpu.memory_space<vmem>>
      %dma_start3A_138 = arith.constant 0 : i32
      %dma_start3A_139 = tpu.memref_slice %arg17[%dma_start3A_138] : memref<10240xf32, #tpu.memory_space<vmem_shared>> -> memref<10240xf32, #tpu.memory_space<vmem_shared>>
      tpu.enqueue_indirect_dma source(%arg12 : memref<128xf32, #tpu.memory_space<vmem>>) target(%dma_start3A_139 : memref<10240xf32, #tpu.memory_space<vmem_shared>>) offsets(%dma_start3A_137 : memref<128xi32, #tpu.memory_space<vmem>>) semaphore(%arg15 : memref<!tpu.dma_semaphore, #tpu.memory_space<semaphore_mem>>) {add = true}
      "tpu.region"() ({
        %run_scoped3A = tpu.sem_alloc : memref<!tpu.dma_semaphore, #tpu.memory_space<semaphore_mem>>
        %dma_start3A_146 = arith.constant 0 : i32
        %dma_start3A_147 = tpu.memref_slice %arg8[%add3A_134, %dma_start3A_146] : memref<40x128xi32, #tpu.memory_space<vmem>> -> memref<1x128xi32, #tpu.memory_space<vmem>>
        %dma_start3A_148 = tpu.memref_squeeze %dma_start3A_147 : memref<1x128xi32, #tpu.memory_space<vmem>> -> memref<128xi32, #tpu.memory_space<vmem>>
        %dma_start3A_149 = arith.constant 0 : i32
        %dma_start3A_150 = arith.constant 0 : i32
        %dma_start3A_151 = tpu.memref_slice %arg16[%dma_start3A_149, %dma_start3A_150] : memref<10240x128xf32, #tpu.memory_space<vmem_shared>> -> memref<10240x128xf32, #tpu.memory_space<vmem_shared>>
        tpu.enqueue_indirect_dma source(%arg10 : memref<128x128xf32, #tpu.memory_space<vmem>>) target(%dma_start3A_151 : memref<10240x128xf32, #tpu.memory_space<vmem_shared>>) offsets(%dma_start3A_148 : memref<128xi32, #tpu.memory_space<vmem>>) semaphore(%run_scoped3A : memref<!tpu.dma_semaphore, #tpu.memory_space<semaphore_mem>>) {add = true}
        %dma_wait3A_152 = arith.constant 0 : i32
        %dma_wait3A_153 = tpu.memref_slice %arg8[%add3A_134, %dma_wait3A_152] : memref<40x128xi32, #tpu.memory_space<vmem>> -> memref<1x128xi32, #tpu.memory_space<vmem>>
        %dma_wait3A_154 = tpu.memref_squeeze %dma_wait3A_153 : memref<1x128xi32, #tpu.memory_space<vmem>> -> memref<128xi32, #tpu.memory_space<vmem>>
        %dma_wait3A_155 = arith.constant 0 : i32
        %dma_wait3A_156 = arith.constant 0 : i32
        %dma_wait3A_157 = tpu.memref_slice %arg16[%dma_wait3A_155, %dma_wait3A_156] : memref<10240x128xf32, #tpu.memory_space<vmem_shared>> -> memref<10240x128xf32, #tpu.memory_space<vmem_shared>>
        tpu.wait_indirect_dma semaphore(%run_scoped3A : memref<!tpu.dma_semaphore, #tpu.memory_space<semaphore_mem>>) src(%arg10 : memref<128x128xf32, #tpu.memory_space<vmem>>) dst(%dma_wait3A_157 : memref<10240x128xf32, #tpu.memory_space<vmem_shared>>)
        tpu.yield
      }) : () -> ()
      %dma_wait3A_140 = arith.constant 0 : i32
      %dma_wait3A_141 = arith.constant 0 : i32
      %dma_wait3A_142 = tpu.memref_slice %arg8[%dma_wait3A_140, %dma_wait3A_141] : memref<40x128xi32, #tpu.memory_space<vmem>> -> memref<1x128xi32, #tpu.memory_space<vmem>>
      %dma_wait3A_143 = tpu.memref_squeeze %dma_wait3A_142 : memref<1x128xi32, #tpu.memory_space<vmem>> -> memref<128xi32, #tpu.memory_space<vmem>>
      %dma_wait3A_144 = arith.constant 0 : i32
      %dma_wait3A_145 = tpu.memref_slice %arg17[%dma_wait3A_144] : memref<10240xf32, #tpu.memory_space<vmem_shared>> -> memref<10240xf32, #tpu.memory_space<vmem_shared>>
      tpu.wait_indirect_dma semaphore(%arg15 : memref<!tpu.dma_semaphore, #tpu.memory_space<semaphore_mem>>) src(%arg12 : memref<128xf32, #tpu.memory_space<vmem>>) dst(%dma_wait3A_145 : memref<10240xf32, #tpu.memory_space<vmem_shared>>)
    }
    %scan3A_81 = arith.constant 20 : i32
    "tpu.region"() ({
      %run_scoped3A = tpu.sem_alloc : memref<!tpu.dma_semaphore, #tpu.memory_space<semaphore_mem>>
      %dma_start3A_96 = arith.constant 40 : i32
      %dma_start3A_97 = arith.constant 0 : i32
      %dma_start3A_98 = tpu.memref_slice %arg3[%add3A, %dma_start3A_96, %dma_start3A_97] : memref<32x80x128xi32, #tpu.memory_space<hbm>> -> memref<1x40x128xi32, #tpu.memory_space<hbm>>
      %dma_start3A_99 = tpu.memref_squeeze %dma_start3A_98 : memref<1x40x128xi32, #tpu.memory_space<hbm>> -> memref<40x128xi32, #tpu.memory_space<hbm>>
      %dma_start3A_100 = arith.constant 40 : i32
      %dma_start3A_101 = arith.constant 0 : i32
      %dma_start3A_102 = tpu.memref_slice %arg3[%add3A, %dma_start3A_100, %dma_start3A_101] : memref<32x80x128xi32, #tpu.memory_space<hbm>> -> memref<1x40x128xi32, #tpu.memory_space<hbm>>
      %dma_start3A_103 = tpu.memref_squeeze %dma_start3A_102 : memref<1x40x128xi32, #tpu.memory_space<hbm>> -> memref<40x128xi32, #tpu.memory_space<hbm>>
      tpu.enqueue_dma source(%dma_start3A_103 : memref<40x128xi32, #tpu.memory_space<hbm>>) target(%arg7 : memref<40x128xi32, #tpu.memory_space<vmem>>) target_semaphore(%run_scoped3A : memref<!tpu.dma_semaphore, #tpu.memory_space<semaphore_mem>>)
      %dma_wait3A = arith.constant 40 : i32
      %dma_wait3A_104 = arith.constant 0 : i32
      %dma_wait3A_105 = tpu.memref_slice %arg3[%add3A, %dma_wait3A, %dma_wait3A_104] : memref<32x80x128xi32, #tpu.memory_space<hbm>> -> memref<1x40x128xi32, #tpu.memory_space<hbm>>
      %dma_wait3A_106 = tpu.memref_squeeze %dma_wait3A_105 : memref<1x40x128xi32, #tpu.memory_space<hbm>> -> memref<40x128xi32, #tpu.memory_space<hbm>>
      %dma_wait3A_107 = arith.constant 40 : i32
      %dma_wait3A_108 = arith.constant 0 : i32
      %dma_wait3A_109 = tpu.memref_slice %arg3[%add3A, %dma_wait3A_107, %dma_wait3A_108] : memref<32x80x128xi32, #tpu.memory_space<hbm>> -> memref<1x40x128xi32, #tpu.memory_space<hbm>>
      %dma_wait3A_110 = tpu.memref_squeeze %dma_wait3A_109 : memref<1x40x128xi32, #tpu.memory_space<hbm>> -> memref<40x128xi32, #tpu.memory_space<hbm>>
      tpu.wait_dma2 semaphore(%run_scoped3A : memref<!tpu.dma_semaphore, #tpu.memory_space<semaphore_mem>>) src(%dma_wait3A_110 : memref<40x128xi32, #tpu.memory_space<hbm>>) dst(%arg7 : memref<40x128xi32, #tpu.memory_space<vmem>>)
      tpu.yield
    }) : () -> ()
    "tpu.region"() ({
      %run_scoped3A = tpu.sem_alloc : memref<!tpu.dma_semaphore, #tpu.memory_space<semaphore_mem>>
      %dma_start3A_96 = arith.constant 40 : i32
      %dma_start3A_97 = arith.constant 0 : i32
      %dma_start3A_98 = tpu.memref_slice %arg4[%add3A, %dma_start3A_96, %dma_start3A_97] : memref<32x80x128xi32, #tpu.memory_space<hbm>> -> memref<1x40x128xi32, #tpu.memory_space<hbm>>
      %dma_start3A_99 = tpu.memref_squeeze %dma_start3A_98 : memref<1x40x128xi32, #tpu.memory_space<hbm>> -> memref<40x128xi32, #tpu.memory_space<hbm>>
      %dma_start3A_100 = arith.constant 40 : i32
      %dma_start3A_101 = arith.constant 0 : i32
      %dma_start3A_102 = tpu.memref_slice %arg4[%add3A, %dma_start3A_100, %dma_start3A_101] : memref<32x80x128xi32, #tpu.memory_space<hbm>> -> memref<1x40x128xi32, #tpu.memory_space<hbm>>
      %dma_start3A_103 = tpu.memref_squeeze %dma_start3A_102 : memref<1x40x128xi32, #tpu.memory_space<hbm>> -> memref<40x128xi32, #tpu.memory_space<hbm>>
      tpu.enqueue_dma source(%dma_start3A_103 : memref<40x128xi32, #tpu.memory_space<hbm>>) target(%arg8 : memref<40x128xi32, #tpu.memory_space<vmem>>) target_semaphore(%run_scoped3A : memref<!tpu.dma_semaphore, #tpu.memory_space<semaphore_mem>>)
      %dma_wait3A = arith.constant 40 : i32
      %dma_wait3A_104 = arith.constant 0 : i32
      %dma_wait3A_105 = tpu.memref_slice %arg4[%add3A, %dma_wait3A, %dma_wait3A_104] : memref<32x80x128xi32, #tpu.memory_space<hbm>> -> memref<1x40x128xi32, #tpu.memory_space<hbm>>
      %dma_wait3A_106 = tpu.memref_squeeze %dma_wait3A_105 : memref<1x40x128xi32, #tpu.memory_space<hbm>> -> memref<40x128xi32, #tpu.memory_space<hbm>>
      %dma_wait3A_107 = arith.constant 40 : i32
      %dma_wait3A_108 = arith.constant 0 : i32
      %dma_wait3A_109 = tpu.memref_slice %arg4[%add3A, %dma_wait3A_107, %dma_wait3A_108] : memref<32x80x128xi32, #tpu.memory_space<hbm>> -> memref<1x40x128xi32, #tpu.memory_space<hbm>>
      %dma_wait3A_110 = tpu.memref_squeeze %dma_wait3A_109 : memref<1x40x128xi32, #tpu.memory_space<hbm>> -> memref<40x128xi32, #tpu.memory_space<hbm>>
      tpu.wait_dma2 semaphore(%run_scoped3A : memref<!tpu.dma_semaphore, #tpu.memory_space<semaphore_mem>>) src(%dma_wait3A_110 : memref<40x128xi32, #tpu.memory_space<hbm>>) dst(%arg8 : memref<40x128xi32, #tpu.memory_space<vmem>>)
      tpu.yield
    }) : () -> ()
    %dma_start3A_82 = arith.constant 0 : i32
    %dma_start3A_83 = arith.constant 0 : i32
    %dma_start3A_84 = tpu.memref_slice %arg7[%dma_start3A_82, %dma_start3A_83] : memref<40x128xi32, #tpu.memory_space<vmem>> -> memref<1x128xi32, #tpu.memory_space<vmem>>
    %dma_start3A_85 = tpu.memref_squeeze %dma_start3A_84 : memref<1x128xi32, #tpu.memory_space<vmem>> -> memref<128xi32, #tpu.memory_space<vmem>>
    %dma_start3A_86 = arith.constant 0 : i32
    %dma_start3A_87 = arith.constant 0 : i32
    %dma_start3A_88 = tpu.memref_slice %arg2[%dma_start3A_86, %dma_start3A_87] : memref<10000x128xf32, #tpu.memory_space<hbm>> -> memref<10000x128xf32, #tpu.memory_space<hbm>>
    tpu.enqueue_indirect_dma source(%dma_start3A_88 : memref<10000x128xf32, #tpu.memory_space<hbm>>) target(%arg9 : memref<128x128xf32, #tpu.memory_space<vmem>>) offsets(%dma_start3A_85 : memref<128xi32, #tpu.memory_space<vmem>>) semaphore(%arg13 : memref<!tpu.dma_semaphore, #tpu.memory_space<semaphore_mem>>)
    %scan3A_89 = arith.constant 0 : i32
    %scan3A_90 = arith.constant 0 : i32
    %scan3A_91 = arith.constant 20 : i32
    %scan3A_92 = arith.addi %scan3A_90, %scan3A_91 : i32
    %scan3A_93 = arith.constant 1 : i32
    scf.for %scan3A_96 = %scan3A_90 to %scan3A_92 step %scan3A_93  : i32 {
      %mul3A_97 = arith.constant 2 : i32
      %mul3A_98 = arith.muli %mul3A_97, %scan3A_96 : i32
      %add3A_99 = arith.constant 1 : i32
      %add3A_100 = arith.addi %mul3A_98, %add3A_99 : i32
      %dma_start3A_101 = arith.constant 0 : i32
      %dma_start3A_102 = tpu.memref_slice %arg7[%add3A_100, %dma_start3A_101] : memref<40x128xi32, #tpu.memory_space<vmem>> -> memref<1x128xi32, #tpu.memory_space<vmem>>
      %dma_start3A_103 = tpu.memref_squeeze %dma_start3A_102 : memref<1x128xi32, #tpu.memory_space<vmem>> -> memref<128xi32, #tpu.memory_space<vmem>>
      %dma_start3A_104 = arith.constant 0 : i32
      %dma_start3A_105 = arith.constant 0 : i32
      %dma_start3A_106 = tpu.memref_slice %arg2[%dma_start3A_104, %dma_start3A_105] : memref<10000x128xf32, #tpu.memory_space<hbm>> -> memref<10000x128xf32, #tpu.memory_space<hbm>>
      tpu.enqueue_indirect_dma source(%dma_start3A_106 : memref<10000x128xf32, #tpu.memory_space<hbm>>) target(%arg10 : memref<128x128xf32, #tpu.memory_space<vmem>>) offsets(%dma_start3A_103 : memref<128xi32, #tpu.memory_space<vmem>>) semaphore(%arg14 : memref<!tpu.dma_semaphore, #tpu.memory_space<semaphore_mem>>)
      %dma_wait3A = arith.constant 0 : i32
      %dma_wait3A_107 = arith.constant 0 : i32
      %dma_wait3A_108 = tpu.memref_slice %arg7[%dma_wait3A, %dma_wait3A_107] : memref<40x128xi32, #tpu.memory_space<vmem>> -> memref<1x128xi32, #tpu.memory_space<vmem>>
      %dma_wait3A_109 = tpu.memref_squeeze %dma_wait3A_108 : memref<1x128xi32, #tpu.memory_space<vmem>> -> memref<128xi32, #tpu.memory_space<vmem>>
      %dma_wait3A_110 = arith.constant 0 : i32
      %dma_wait3A_111 = arith.constant 0 : i32
      %dma_wait3A_112 = tpu.memref_slice %arg2[%dma_wait3A_110, %dma_wait3A_111] : memref<10000x128xf32, #tpu.memory_space<hbm>> -> memref<10000x128xf32, #tpu.memory_space<hbm>>
      tpu.wait_indirect_dma semaphore(%arg13 : memref<!tpu.dma_semaphore, #tpu.memory_space<semaphore_mem>>) src(%dma_wait3A_112 : memref<10000x128xf32, #tpu.memory_space<hbm>>) dst(%arg9 : memref<128x128xf32, #tpu.memory_space<vmem>>)
      %dma_start3A_113 = arith.constant 0 : i32
      %dma_start3A_114 = tpu.memref_slice %arg8[%mul3A_98, %dma_start3A_113] : memref<40x128xi32, #tpu.memory_space<vmem>> -> memref<1x128xi32, #tpu.memory_space<vmem>>
      %dma_start3A_115 = tpu.memref_squeeze %dma_start3A_114 : memref<1x128xi32, #tpu.memory_space<vmem>> -> memref<128xi32, #tpu.memory_space<vmem>>
      %dma_start3A_116 = arith.constant 0 : i32
      %dma_start3A_117 = tpu.memref_slice %arg17[%dma_start3A_116] : memref<10240xf32, #tpu.memory_space<vmem_shared>> -> memref<10240xf32, #tpu.memory_space<vmem_shared>>
      tpu.enqueue_indirect_dma source(%arg12 : memref<128xf32, #tpu.memory_space<vmem>>) target(%dma_start3A_117 : memref<10240xf32, #tpu.memory_space<vmem_shared>>) offsets(%dma_start3A_115 : memref<128xi32, #tpu.memory_space<vmem>>) semaphore(%arg15 : memref<!tpu.dma_semaphore, #tpu.memory_space<semaphore_mem>>) {add = true}
      "tpu.region"() ({
        %run_scoped3A = tpu.sem_alloc : memref<!tpu.dma_semaphore, #tpu.memory_space<semaphore_mem>>
        %dma_start3A_146 = arith.constant 0 : i32
        %dma_start3A_147 = tpu.memref_slice %arg8[%mul3A_98, %dma_start3A_146] : memref<40x128xi32, #tpu.memory_space<vmem>> -> memref<1x128xi32, #tpu.memory_space<vmem>>
        %dma_start3A_148 = tpu.memref_squeeze %dma_start3A_147 : memref<1x128xi32, #tpu.memory_space<vmem>> -> memref<128xi32, #tpu.memory_space<vmem>>
        %dma_start3A_149 = arith.constant 0 : i32
        %dma_start3A_150 = arith.constant 0 : i32
        %dma_start3A_151 = tpu.memref_slice %arg16[%dma_start3A_149, %dma_start3A_150] : memref<10240x128xf32, #tpu.memory_space<vmem_shared>> -> memref<10240x128xf32, #tpu.memory_space<vmem_shared>>
        tpu.enqueue_indirect_dma source(%arg9 : memref<128x128xf32, #tpu.memory_space<vmem>>) target(%dma_start3A_151 : memref<10240x128xf32, #tpu.memory_space<vmem_shared>>) offsets(%dma_start3A_148 : memref<128xi32, #tpu.memory_space<vmem>>) semaphore(%run_scoped3A : memref<!tpu.dma_semaphore, #tpu.memory_space<semaphore_mem>>) {add = true}
        %dma_wait3A_152 = arith.constant 0 : i32
        %dma_wait3A_153 = tpu.memref_slice %arg8[%mul3A_98, %dma_wait3A_152] : memref<40x128xi32, #tpu.memory_space<vmem>> -> memref<1x128xi32, #tpu.memory_space<vmem>>
        %dma_wait3A_154 = tpu.memref_squeeze %dma_wait3A_153 : memref<1x128xi32, #tpu.memory_space<vmem>> -> memref<128xi32, #tpu.memory_space<vmem>>
        %dma_wait3A_155 = arith.constant 0 : i32
        %dma_wait3A_156 = arith.constant 0 : i32
        %dma_wait3A_157 = tpu.memref_slice %arg16[%dma_wait3A_155, %dma_wait3A_156] : memref<10240x128xf32, #tpu.memory_space<vmem_shared>> -> memref<10240x128xf32, #tpu.memory_space<vmem_shared>>
        tpu.wait_indirect_dma semaphore(%run_scoped3A : memref<!tpu.dma_semaphore, #tpu.memory_space<semaphore_mem>>) src(%arg9 : memref<128x128xf32, #tpu.memory_space<vmem>>) dst(%dma_wait3A_157 : memref<10240x128xf32, #tpu.memory_space<vmem_shared>>)
        tpu.yield
      }) : () -> ()
      %dma_wait3A_118 = arith.constant 0 : i32
      %dma_wait3A_119 = arith.constant 0 : i32
      %dma_wait3A_120 = tpu.memref_slice %arg8[%dma_wait3A_118, %dma_wait3A_119] : memref<40x128xi32, #tpu.memory_space<vmem>> -> memref<1x128xi32, #tpu.memory_space<vmem>>
      %dma_wait3A_121 = tpu.memref_squeeze %dma_wait3A_120 : memref<1x128xi32, #tpu.memory_space<vmem>> -> memref<128xi32, #tpu.memory_space<vmem>>
      %dma_wait3A_122 = arith.constant 0 : i32
      %dma_wait3A_123 = tpu.memref_slice %arg17[%dma_wait3A_122] : memref<10240xf32, #tpu.memory_space<vmem_shared>> -> memref<10240xf32, #tpu.memory_space<vmem_shared>>
      tpu.wait_indirect_dma semaphore(%arg15 : memref<!tpu.dma_semaphore, #tpu.memory_space<semaphore_mem>>) src(%arg12 : memref<128xf32, #tpu.memory_space<vmem>>) dst(%dma_wait3A_123 : memref<10240xf32, #tpu.memory_space<vmem_shared>>)
      %lt3A = arith.constant 19 : i32
      %lt3A_124 = arith.cmpi slt, %scan3A_96, %lt3A : i32
      %convert_element_type3A = arith.extui %lt3A_124 : i1 to i32
      %cond3A = arith.constant 0 : i32
      %cond3A_125 = arith.cmpi ne, %convert_element_type3A, %cond3A : i32
      scf.if %cond3A_125 {
        %add3A_146 = arith.constant 2 : i32
        %add3A_147 = arith.addi %mul3A_98, %add3A_146 : i32
        %dma_start3A_148 = arith.constant 0 : i32
        %dma_start3A_149 = tpu.memref_slice %arg7[%add3A_147, %dma_start3A_148] : memref<40x128xi32, #tpu.memory_space<vmem>> -> memref<1x128xi32, #tpu.memory_space<vmem>>
        %dma_start3A_150 = tpu.memref_squeeze %dma_start3A_149 : memref<1x128xi32, #tpu.memory_space<vmem>> -> memref<128xi32, #tpu.memory_space<vmem>>
        %dma_start3A_151 = arith.constant 0 : i32
        %dma_start3A_152 = arith.constant 0 : i32
        %dma_start3A_153 = tpu.memref_slice %arg2[%dma_start3A_151, %dma_start3A_152] : memref<10000x128xf32, #tpu.memory_space<hbm>> -> memref<10000x128xf32, #tpu.memory_space<hbm>>
        tpu.enqueue_indirect_dma source(%dma_start3A_153 : memref<10000x128xf32, #tpu.memory_space<hbm>>) target(%arg9 : memref<128x128xf32, #tpu.memory_space<vmem>>) offsets(%dma_start3A_150 : memref<128xi32, #tpu.memory_space<vmem>>) semaphore(%arg13 : memref<!tpu.dma_semaphore, #tpu.memory_space<semaphore_mem>>)
      } else {
      }
      %dma_wait3A_126 = arith.constant 0 : i32
      %dma_wait3A_127 = arith.constant 0 : i32
      %dma_wait3A_128 = tpu.memref_slice %arg7[%dma_wait3A_126, %dma_wait3A_127] : memref<40x128xi32, #tpu.memory_space<vmem>> -> memref<1x128xi32, #tpu.memory_space<vmem>>
      %dma_wait3A_129 = tpu.memref_squeeze %dma_wait3A_128 : memref<1x128xi32, #tpu.memory_space<vmem>> -> memref<128xi32, #tpu.memory_space<vmem>>
      %dma_wait3A_130 = arith.constant 0 : i32
      %dma_wait3A_131 = arith.constant 0 : i32
      %dma_wait3A_132 = tpu.memref_slice %arg2[%dma_wait3A_130, %dma_wait3A_131] : memref<10000x128xf32, #tpu.memory_space<hbm>> -> memref<10000x128xf32, #tpu.memory_space<hbm>>
      tpu.wait_indirect_dma semaphore(%arg14 : memref<!tpu.dma_semaphore, #tpu.memory_space<semaphore_mem>>) src(%dma_wait3A_132 : memref<10000x128xf32, #tpu.memory_space<hbm>>) dst(%arg10 : memref<128x128xf32, #tpu.memory_space<vmem>>)
      %add3A_133 = arith.constant 1 : i32
      %add3A_134 = arith.addi %mul3A_98, %add3A_133 : i32
      %dma_start3A_135 = arith.constant 0 : i32
      %dma_start3A_136 = tpu.memref_slice %arg8[%add3A_134, %dma_start3A_135] : memref<40x128xi32, #tpu.memory_space<vmem>> -> memref<1x128xi32, #tpu.memory_space<vmem>>
      %dma_start3A_137 = tpu.memref_squeeze %dma_start3A_136 : memref<1x128xi32, #tpu.memory_space<vmem>> -> memref<128xi32, #tpu.memory_space<vmem>>
      %dma_start3A_138 = arith.constant 0 : i32
      %dma_start3A_139 = tpu.memref_slice %arg17[%dma_start3A_138] : memref<10240xf32, #tpu.memory_space<vmem_shared>> -> memref<10240xf32, #tpu.memory_space<vmem_shared>>
      tpu.enqueue_indirect_dma source(%arg12 : memref<128xf32, #tpu.memory_space<vmem>>) target(%dma_start3A_139 : memref<10240xf32, #tpu.memory_space<vmem_shared>>) offsets(%dma_start3A_137 : memref<128xi32, #tpu.memory_space<vmem>>) semaphore(%arg15 : memref<!tpu.dma_semaphore, #tpu.memory_space<semaphore_mem>>) {add = true}
      "tpu.region"() ({
        %run_scoped3A = tpu.sem_alloc : memref<!tpu.dma_semaphore, #tpu.memory_space<semaphore_mem>>
        %dma_start3A_146 = arith.constant 0 : i32
        %dma_start3A_147 = tpu.memref_slice %arg8[%add3A_134, %dma_start3A_146] : memref<40x128xi32, #tpu.memory_space<vmem>> -> memref<1x128xi32, #tpu.memory_space<vmem>>
        %dma_start3A_148 = tpu.memref_squeeze %dma_start3A_147 : memref<1x128xi32, #tpu.memory_space<vmem>> -> memref<128xi32, #tpu.memory_space<vmem>>
        %dma_start3A_149 = arith.constant 0 : i32
        %dma_start3A_150 = arith.constant 0 : i32
        %dma_start3A_151 = tpu.memref_slice %arg16[%dma_start3A_149, %dma_start3A_150] : memref<10240x128xf32, #tpu.memory_space<vmem_shared>> -> memref<10240x128xf32, #tpu.memory_space<vmem_shared>>
        tpu.enqueue_indirect_dma source(%arg10 : memref<128x128xf32, #tpu.memory_space<vmem>>) target(%dma_start3A_151 : memref<10240x128xf32, #tpu.memory_space<vmem_shared>>) offsets(%dma_start3A_148 : memref<128xi32, #tpu.memory_space<vmem>>) semaphore(%run_scoped3A : memref<!tpu.dma_semaphore, #tpu.memory_space<semaphore_mem>>) {add = true}
        %dma_wait3A_152 = arith.constant 0 : i32
        %dma_wait3A_153 = tpu.memref_slice %arg8[%add3A_134, %dma_wait3A_152] : memref<40x128xi32, #tpu.memory_space<vmem>> -> memref<1x128xi32, #tpu.memory_space<vmem>>
        %dma_wait3A_154 = tpu.memref_squeeze %dma_wait3A_153 : memref<1x128xi32, #tpu.memory_space<vmem>> -> memref<128xi32, #tpu.memory_space<vmem>>
        %dma_wait3A_155 = arith.constant 0 : i32
        %dma_wait3A_156 = arith.constant 0 : i32
        %dma_wait3A_157 = tpu.memref_slice %arg16[%dma_wait3A_155, %dma_wait3A_156] : memref<10240x128xf32, #tpu.memory_space<vmem_shared>> -> memref<10240x128xf32, #tpu.memory_space<vmem_shared>>
        tpu.wait_indirect_dma semaphore(%run_scoped3A : memref<!tpu.dma_semaphore, #tpu.memory_space<semaphore_mem>>) src(%arg10 : memref<128x128xf32, #tpu.memory_space<vmem>>) dst(%dma_wait3A_157 : memref<10240x128xf32, #tpu.memory_space<vmem_shared>>)
        tpu.yield
      }) : () -> ()
      %dma_wait3A_140 = arith.constant 0 : i32
      %dma_wait3A_141 = arith.constant 0 : i32
      %dma_wait3A_142 = tpu.memref_slice %arg8[%dma_wait3A_140, %dma_wait3A_141] : memref<40x128xi32, #tpu.memory_space<vmem>> -> memref<1x128xi32, #tpu.memory_space<vmem>>
      %dma_wait3A_143 = tpu.memref_squeeze %dma_wait3A_142 : memref<1x128xi32, #tpu.memory_space<vmem>> -> memref<128xi32, #tpu.memory_space<vmem>>
      %dma_wait3A_144 = arith.constant 0 : i32
      %dma_wait3A_145 = tpu.memref_slice %arg17[%dma_wait3A_144] : memref<10240xf32, #tpu.memory_space<vmem_shared>> -> memref<10240xf32, #tpu.memory_space<vmem_shared>>
      tpu.wait_indirect_dma semaphore(%arg15 : memref<!tpu.dma_semaphore, #tpu.memory_space<semaphore_mem>>) src(%arg12 : memref<128xf32, #tpu.memory_space<vmem>>) dst(%dma_wait3A_145 : memref<10240xf32, #tpu.memory_space<vmem_shared>>)
    }
    %scan3A_94 = arith.constant 20 : i32
    %barrier3A_95 = arith.constant 0 : index
    tpu.barrier barrier_id(%barrier3A_95)
    "tpu.region"() ({
      %run_scoped3A = tpu.sem_alloc : memref<!tpu.dma_semaphore, #tpu.memory_space<semaphore_mem>>
      %dma_start3A_96 = arith.constant 0 : i32
      %dma_start3A_97 = tpu.memref_slice %arg5[%arg0, %mul3A_2, %dma_start3A_96] : memref<2x10240x128xf32, #tpu.memory_space<hbm>> -> memref<1x640x128xf32, #tpu.memory_space<hbm>>
      %dma_start3A_98 = tpu.memref_squeeze %dma_start3A_97 : memref<1x640x128xf32, #tpu.memory_space<hbm>> -> memref<640x128xf32, #tpu.memory_space<hbm>>
      %dma_start3A_99 = arith.constant 0 : i32
      %dma_start3A_100 = tpu.memref_slice %arg16[%mul3A_2, %dma_start3A_99] : memref<10240x128xf32, #tpu.memory_space<vmem_shared>> -> memref<640x128xf32, #tpu.memory_space<vmem_shared>>
      tpu.enqueue_dma source(%dma_start3A_100 : memref<640x128xf32, #tpu.memory_space<vmem_shared>>) target(%dma_start3A_98 : memref<640x128xf32, #tpu.memory_space<hbm>>) target_semaphore(%run_scoped3A : memref<!tpu.dma_semaphore, #tpu.memory_space<semaphore_mem>>)
      %dma_wait3A = arith.constant 0 : i32
      %dma_wait3A_101 = tpu.memref_slice %arg5[%arg0, %mul3A_2, %dma_wait3A] : memref<2x10240x128xf32, #tpu.memory_space<hbm>> -> memref<1x640x128xf32, #tpu.memory_space<hbm>>
      %dma_wait3A_102 = tpu.memref_squeeze %dma_wait3A_101 : memref<1x640x128xf32, #tpu.memory_space<hbm>> -> memref<640x128xf32, #tpu.memory_space<hbm>>
      %dma_wait3A_103 = arith.constant 0 : i32
      %dma_wait3A_104 = tpu.memref_slice %arg16[%mul3A_2, %dma_wait3A_103] : memref<10240x128xf32, #tpu.memory_space<vmem_shared>> -> memref<640x128xf32, #tpu.memory_space<vmem_shared>>
      tpu.wait_dma2 semaphore(%run_scoped3A : memref<!tpu.dma_semaphore, #tpu.memory_space<semaphore_mem>>) src(%dma_wait3A_104 : memref<640x128xf32, #tpu.memory_space<vmem_shared>>) dst(%dma_wait3A_102 : memref<640x128xf32, #tpu.memory_space<hbm>>)
      tpu.yield
    }) : () -> ()
    "tpu.region"() ({
      %run_scoped3A = tpu.sem_alloc : memref<!tpu.dma_semaphore, #tpu.memory_space<semaphore_mem>>
      %dma_start3A_96 = tpu.memref_slice %arg6[%arg0, %mul3A_2] : memref<2x10240xf32, #tpu.memory_space<hbm>> -> memref<1x640xf32, #tpu.memory_space<hbm>>
      %dma_start3A_97 = tpu.memref_squeeze %dma_start3A_96 : memref<1x640xf32, #tpu.memory_space<hbm>> -> memref<640xf32, #tpu.memory_space<hbm>>
      %dma_start3A_98 = tpu.memref_slice %arg17[%mul3A_2] : memref<10240xf32, #tpu.memory_space<vmem_shared>> -> memref<640xf32, #tpu.memory_space<vmem_shared>>
      tpu.enqueue_dma source(%dma_start3A_98 : memref<640xf32, #tpu.memory_space<vmem_shared>>) target(%dma_start3A_97 : memref<640xf32, #tpu.memory_space<hbm>>) target_semaphore(%run_scoped3A : memref<!tpu.dma_semaphore, #tpu.memory_space<semaphore_mem>>)
      %dma_wait3A = tpu.memref_slice %arg6[%arg0, %mul3A_2] : memref<2x10240xf32, #tpu.memory_space<hbm>> -> memref<1x640xf32, #tpu.memory_space<hbm>>
      %dma_wait3A_99 = tpu.memref_squeeze %dma_wait3A : memref<1x640xf32, #tpu.memory_space<hbm>> -> memref<640xf32, #tpu.memory_space<hbm>>
      %dma_wait3A_100 = tpu.memref_slice %arg17[%mul3A_2] : memref<10240xf32, #tpu.memory_space<vmem_shared>> -> memref<640xf32, #tpu.memory_space<vmem_shared>>
      tpu.wait_dma2 semaphore(%run_scoped3A : memref<!tpu.dma_semaphore, #tpu.memory_space<semaphore_mem>>) src(%dma_wait3A_100 : memref<640xf32, #tpu.memory_space<vmem_shared>>) dst(%dma_wait3A_99 : memref<640xf32, #tpu.memory_space<hbm>>)
      tpu.yield
    }) : () -> ()
    return
  }
}

#map = affine_map<(d0, d1) -> (0, 0)>
#map1 = affine_map<(d0, d1) -> (0, 0, 0)>
module attributes {stable_mosaic.version = 14 : i64} {
  func.func @_sc_body(%arg0: i32, %arg1: i32, %arg2: memref<10240x128xf32, #tpu.memory_space<hbm>>, %arg3: memref<32x80x128xi32, #tpu.memory_space<hbm>>, %arg4: memref<32x80x128xi32, #tpu.memory_space<hbm>>, %arg5: memref<2x10240x128xf32, #tpu.memory_space<hbm>>, %arg6: memref<40x128xi32, #tpu.memory_space<vmem>>, %arg7: memref<40x128xi32, #tpu.memory_space<vmem>>, %arg8: memref<128x128xf32, #tpu.memory_space<vmem>>, %arg9: memref<128x128xf32, #tpu.memory_space<vmem>>, %arg10: memref<!tpu.dma_semaphore, #tpu.memory_space<semaphore_mem>>, %arg11: memref<!tpu.dma_semaphore, #tpu.memory_space<semaphore_mem>>, %arg12: memref<10240x128xf32, #tpu.memory_space<vmem_shared>>) attributes {dimension_semantics = [#tpu.dimension_semantics<core_parallel>, #tpu.dimension_semantics<subcore_parallel>], iteration_bounds = array<i64: 2, 16>, scalar_prefetch = 0 : i64, scratch_operands = 7 : i64, tpu.core_type = #tpu.core_type<sc_vector_subcore>, window_params = [{transform_indices = #map}, {transform_indices = #map1}, {transform_indices = #map1}, {transform_indices = #map1}]} {
    %mul3A = arith.constant 16 : i32
    %mul3A_0 = arith.muli %arg0, %mul3A : i32
    %add3A = arith.addi %mul3A_0, %arg1 : i32
    %mul3A_1 = arith.constant 640 : i32
    %mul3A_2 = arith.muli %arg1, %mul3A_1 : i32
    %scan3A = arith.constant 0 : i32
    %scan3A_3 = arith.constant 0 : i32
    %scan3A_4 = arith.constant 128 : i32
    %scan3A_5 = arith.addi %scan3A_3, %scan3A_4 : i32
    %scan3A_6 = arith.constant 1 : i32
    scf.for %scan3A_44 = %scan3A_3 to %scan3A_5 step %scan3A_6  : i32 {
      %broadcast_in_dim3A = arith.constant 0.000000e+00 : f32
      %broadcast_in_dim3A_45 = vector.broadcast %broadcast_in_dim3A : f32 to vector<16xf32>
      %swap3A = arith.index_cast %scan3A_44 : i32 to index
      %swap3A_46 = arith.constant 0 : index
      %swap3A_47 = tpu.vector_load %arg8[%swap3A, %swap3A_46] {strides = array<i32>} : memref<128x128xf32, #tpu.memory_space<vmem>>, vector<1x16xf32>,
      %swap3A_48 = vector.shape_cast %swap3A_47 : vector<1x16xf32> to vector<16xf32>
      %swap3A_49 = vector.shape_cast %broadcast_in_dim3A_45 : vector<16xf32> to vector<1x16xf32>
      tpu.vector_store %arg8[%swap3A, %swap3A_46], %swap3A_49 {strides = array<i32>} : memref<128x128xf32, #tpu.memory_space<vmem>>, vector<1x16xf32>,
      %broadcast_in_dim3A_50 = arith.constant 0.000000e+00 : f32
      %broadcast_in_dim3A_51 = vector.broadcast %broadcast_in_dim3A_50 : f32 to vector<16xf32>
      %swap3A_52 = arith.index_cast %scan3A_44 : i32 to index
      %swap3A_53 = arith.constant 16 : index
      %swap3A_54 = tpu.vector_load %arg8[%swap3A_52, %swap3A_53] {strides = array<i32>} : memref<128x128xf32, #tpu.memory_space<vmem>>, vector<1x16xf32>,
      %swap3A_55 = vector.shape_cast %swap3A_54 : vector<1x16xf32> to vector<16xf32>
      %swap3A_56 = vector.shape_cast %broadcast_in_dim3A_51 : vector<16xf32> to vector<1x16xf32>
      tpu.vector_store %arg8[%swap3A_52, %swap3A_53], %swap3A_56 {strides = array<i32>} : memref<128x128xf32, #tpu.memory_space<vmem>>, vector<1x16xf32>,
      %broadcast_in_dim3A_57 = arith.constant 0.000000e+00 : f32
      %broadcast_in_dim3A_58 = vector.broadcast %broadcast_in_dim3A_57 : f32 to vector<16xf32>
      %swap3A_59 = arith.index_cast %scan3A_44 : i32 to index
      %swap3A_60 = arith.constant 32 : index
      %swap3A_61 = tpu.vector_load %arg8[%swap3A_59, %swap3A_60] {strides = array<i32>} : memref<128x128xf32, #tpu.memory_space<vmem>>, vector<1x16xf32>,
      %swap3A_62 = vector.shape_cast %swap3A_61 : vector<1x16xf32> to vector<16xf32>
      %swap3A_63 = vector.shape_cast %broadcast_in_dim3A_58 : vector<16xf32> to vector<1x16xf32>
      tpu.vector_store %arg8[%swap3A_59, %swap3A_60], %swap3A_63 {strides = array<i32>} : memref<128x128xf32, #tpu.memory_space<vmem>>, vector<1x16xf32>,
      %broadcast_in_dim3A_64 = arith.constant 0.000000e+00 : f32
      %broadcast_in_dim3A_65 = vector.broadcast %broadcast_in_dim3A_64 : f32 to vector<16xf32>
      %swap3A_66 = arith.index_cast %scan3A_44 : i32 to index
      %swap3A_67 = arith.constant 48 : index
      %swap3A_68 = tpu.vector_load %arg8[%swap3A_66, %swap3A_67] {strides = array<i32>} : memref<128x128xf32, #tpu.memory_space<vmem>>, vector<1x16xf32>,
      %swap3A_69 = vector.shape_cast %swap3A_68 : vector<1x16xf32> to vector<16xf32>
      %swap3A_70 = vector.shape_cast %broadcast_in_dim3A_65 : vector<16xf32> to vector<1x16xf32>
      tpu.vector_store %arg8[%swap3A_66, %swap3A_67], %swap3A_70 {strides = array<i32>} : memref<128x128xf32, #tpu.memory_space<vmem>>, vector<1x16xf32>,
      %broadcast_in_dim3A_71 = arith.constant 0.000000e+00 : f32
      %broadcast_in_dim3A_72 = vector.broadcast %broadcast_in_dim3A_71 : f32 to vector<16xf32>
      %swap3A_73 = arith.index_cast %scan3A_44 : i32 to index
      %swap3A_74 = arith.constant 64 : index
      %swap3A_75 = tpu.vector_load %arg8[%swap3A_73, %swap3A_74] {strides = array<i32>} : memref<128x128xf32, #tpu.memory_space<vmem>>, vector<1x16xf32>,
      %swap3A_76 = vector.shape_cast %swap3A_75 : vector<1x16xf32> to vector<16xf32>
      %swap3A_77 = vector.shape_cast %broadcast_in_dim3A_72 : vector<16xf32> to vector<1x16xf32>
      tpu.vector_store %arg8[%swap3A_73, %swap3A_74], %swap3A_77 {strides = array<i32>} : memref<128x128xf32, #tpu.memory_space<vmem>>, vector<1x16xf32>,
      %broadcast_in_dim3A_78 = arith.constant 0.000000e+00 : f32
      %broadcast_in_dim3A_79 = vector.broadcast %broadcast_in_dim3A_78 : f32 to vector<16xf32>
      %swap3A_80 = arith.index_cast %scan3A_44 : i32 to index
      %swap3A_81 = arith.constant 80 : index
      %swap3A_82 = tpu.vector_load %arg8[%swap3A_80, %swap3A_81] {strides = array<i32>} : memref<128x128xf32, #tpu.memory_space<vmem>>, vector<1x16xf32>,
      %swap3A_83 = vector.shape_cast %swap3A_82 : vector<1x16xf32> to vector<16xf32>
      %swap3A_84 = vector.shape_cast %broadcast_in_dim3A_79 : vector<16xf32> to vector<1x16xf32>
      tpu.vector_store %arg8[%swap3A_80, %swap3A_81], %swap3A_84 {strides = array<i32>} : memref<128x128xf32, #tpu.memory_space<vmem>>, vector<1x16xf32>,
      %broadcast_in_dim3A_85 = arith.constant 0.000000e+00 : f32
      %broadcast_in_dim3A_86 = vector.broadcast %broadcast_in_dim3A_85 : f32 to vector<16xf32>
      %swap3A_87 = arith.index_cast %scan3A_44 : i32 to index
      %swap3A_88 = arith.constant 96 : index
      %swap3A_89 = tpu.vector_load %arg8[%swap3A_87, %swap3A_88] {strides = array<i32>} : memref<128x128xf32, #tpu.memory_space<vmem>>, vector<1x16xf32>,
      %swap3A_90 = vector.shape_cast %swap3A_89 : vector<1x16xf32> to vector<16xf32>
      %swap3A_91 = vector.shape_cast %broadcast_in_dim3A_86 : vector<16xf32> to vector<1x16xf32>
      tpu.vector_store %arg8[%swap3A_87, %swap3A_88], %swap3A_91 {strides = array<i32>} : memref<128x128xf32, #tpu.memory_space<vmem>>, vector<1x16xf32>,
      %broadcast_in_dim3A_92 = arith.constant 0.000000e+00 : f32
      %broadcast_in_dim3A_93 = vector.broadcast %broadcast_in_dim3A_92 : f32 to vector<16xf32>
      %swap3A_94 = arith.index_cast %scan3A_44 : i32 to index
      %swap3A_95 = arith.constant 112 : index
      %swap3A_96 = tpu.vector_load %arg8[%swap3A_94, %swap3A_95] {strides = array<i32>} : memref<128x128xf32, #tpu.memory_space<vmem>>, vector<1x16xf32>,
      %swap3A_97 = vector.shape_cast %swap3A_96 : vector<1x16xf32> to vector<16xf32>
      %swap3A_98 = vector.shape_cast %broadcast_in_dim3A_93 : vector<16xf32> to vector<1x16xf32>
      tpu.vector_store %arg8[%swap3A_94, %swap3A_95], %swap3A_98 {strides = array<i32>} : memref<128x128xf32, #tpu.memory_space<vmem>>, vector<1x16xf32>,
    }
    %scan3A_7 = arith.constant 128 : i32
    %add3A_8 = arith.constant 0 : i32
    %add3A_9 = arith.addi %mul3A_2, %add3A_8 : i32
    "tpu.region"() ({
      %run_scoped3A = tpu.sem_alloc : memref<!tpu.dma_semaphore, #tpu.memory_space<semaphore_mem>>
      %dma_start3A_44 = arith.constant 0 : i32
      %dma_start3A_45 = tpu.memref_slice %arg12[%add3A_9, %dma_start3A_44] : memref<10240x128xf32, #tpu.memory_space<vmem_shared>> -> memref<128x128xf32, #tpu.memory_space<vmem_shared>>
      %dma_start3A_46 = arith.constant 0 : i32
      %dma_start3A_47 = tpu.memref_slice %arg12[%add3A_9, %dma_start3A_46] : memref<10240x128xf32, #tpu.memory_space<vmem_shared>> -> memref<128x128xf32, #tpu.memory_space<vmem_shared>>
      tpu.enqueue_dma source(%arg8 : memref<128x128xf32, #tpu.memory_space<vmem>>) target(%dma_start3A_47 : memref<128x128xf32, #tpu.memory_space<vmem_shared>>) target_semaphore(%run_scoped3A : memref<!tpu.dma_semaphore, #tpu.memory_space<semaphore_mem>>)
      %dma_wait3A = arith.constant 0 : i32
      %dma_wait3A_48 = tpu.memref_slice %arg12[%add3A_9, %dma_wait3A] : memref<10240x128xf32, #tpu.memory_space<vmem_shared>> -> memref<128x128xf32, #tpu.memory_space<vmem_shared>>
      %dma_wait3A_49 = arith.constant 0 : i32
      %dma_wait3A_50 = tpu.memref_slice %arg12[%add3A_9, %dma_wait3A_49] : memref<10240x128xf32, #tpu.memory_space<vmem_shared>> -> memref<128x128xf32, #tpu.memory_space<vmem_shared>>
      tpu.wait_dma2 semaphore(%run_scoped3A : memref<!tpu.dma_semaphore, #tpu.memory_space<semaphore_mem>>) src(%arg8 : memref<128x128xf32, #tpu.memory_space<vmem>>) dst(%dma_wait3A_50 : memref<128x128xf32, #tpu.memory_space<vmem_shared>>)
      tpu.yield
    }) : () -> ()
    %add3A_10 = arith.constant 128 : i32
    %add3A_11 = arith.addi %mul3A_2, %add3A_10 : i32
    "tpu.region"() ({
      %run_scoped3A = tpu.sem_alloc : memref<!tpu.dma_semaphore, #tpu.memory_space<semaphore_mem>>
      %dma_start3A_44 = arith.constant 0 : i32
      %dma_start3A_45 = tpu.memref_slice %arg12[%add3A_11, %dma_start3A_44] : memref<10240x128xf32, #tpu.memory_space<vmem_shared>> -> memref<128x128xf32, #tpu.memory_space<vmem_shared>>
      %dma_start3A_46 = arith.constant 0 : i32
      %dma_start3A_47 = tpu.memref_slice %arg12[%add3A_11, %dma_start3A_46] : memref<10240x128xf32, #tpu.memory_space<vmem_shared>> -> memref<128x128xf32, #tpu.memory_space<vmem_shared>>
      tpu.enqueue_dma source(%arg8 : memref<128x128xf32, #tpu.memory_space<vmem>>) target(%dma_start3A_47 : memref<128x128xf32, #tpu.memory_space<vmem_shared>>) target_semaphore(%run_scoped3A : memref<!tpu.dma_semaphore, #tpu.memory_space<semaphore_mem>>)
      %dma_wait3A = arith.constant 0 : i32
      %dma_wait3A_48 = tpu.memref_slice %arg12[%add3A_11, %dma_wait3A] : memref<10240x128xf32, #tpu.memory_space<vmem_shared>> -> memref<128x128xf32, #tpu.memory_space<vmem_shared>>
      %dma_wait3A_49 = arith.constant 0 : i32
      %dma_wait3A_50 = tpu.memref_slice %arg12[%add3A_11, %dma_wait3A_49] : memref<10240x128xf32, #tpu.memory_space<vmem_shared>> -> memref<128x128xf32, #tpu.memory_space<vmem_shared>>
      tpu.wait_dma2 semaphore(%run_scoped3A : memref<!tpu.dma_semaphore, #tpu.memory_space<semaphore_mem>>) src(%arg8 : memref<128x128xf32, #tpu.memory_space<vmem>>) dst(%dma_wait3A_50 : memref<128x128xf32, #tpu.memory_space<vmem_shared>>)
      tpu.yield
    }) : () -> ()
    %add3A_12 = arith.constant 256 : i32
    %add3A_13 = arith.addi %mul3A_2, %add3A_12 : i32
    "tpu.region"() ({
      %run_scoped3A = tpu.sem_alloc : memref<!tpu.dma_semaphore, #tpu.memory_space<semaphore_mem>>
      %dma_start3A_44 = arith.constant 0 : i32
      %dma_start3A_45 = tpu.memref_slice %arg12[%add3A_13, %dma_start3A_44] : memref<10240x128xf32, #tpu.memory_space<vmem_shared>> -> memref<128x128xf32, #tpu.memory_space<vmem_shared>>
      %dma_start3A_46 = arith.constant 0 : i32
      %dma_start3A_47 = tpu.memref_slice %arg12[%add3A_13, %dma_start3A_46] : memref<10240x128xf32, #tpu.memory_space<vmem_shared>> -> memref<128x128xf32, #tpu.memory_space<vmem_shared>>
      tpu.enqueue_dma source(%arg8 : memref<128x128xf32, #tpu.memory_space<vmem>>) target(%dma_start3A_47 : memref<128x128xf32, #tpu.memory_space<vmem_shared>>) target_semaphore(%run_scoped3A : memref<!tpu.dma_semaphore, #tpu.memory_space<semaphore_mem>>)
      %dma_wait3A = arith.constant 0 : i32
      %dma_wait3A_48 = tpu.memref_slice %arg12[%add3A_13, %dma_wait3A] : memref<10240x128xf32, #tpu.memory_space<vmem_shared>> -> memref<128x128xf32, #tpu.memory_space<vmem_shared>>
      %dma_wait3A_49 = arith.constant 0 : i32
      %dma_wait3A_50 = tpu.memref_slice %arg12[%add3A_13, %dma_wait3A_49] : memref<10240x128xf32, #tpu.memory_space<vmem_shared>> -> memref<128x128xf32, #tpu.memory_space<vmem_shared>>
      tpu.wait_dma2 semaphore(%run_scoped3A : memref<!tpu.dma_semaphore, #tpu.memory_space<semaphore_mem>>) src(%arg8 : memref<128x128xf32, #tpu.memory_space<vmem>>) dst(%dma_wait3A_50 : memref<128x128xf32, #tpu.memory_space<vmem_shared>>)
      tpu.yield
    }) : () -> ()
    %add3A_14 = arith.constant 384 : i32
    %add3A_15 = arith.addi %mul3A_2, %add3A_14 : i32
    "tpu.region"() ({
      %run_scoped3A = tpu.sem_alloc : memref<!tpu.dma_semaphore, #tpu.memory_space<semaphore_mem>>
      %dma_start3A_44 = arith.constant 0 : i32
      %dma_start3A_45 = tpu.memref_slice %arg12[%add3A_15, %dma_start3A_44] : memref<10240x128xf32, #tpu.memory_space<vmem_shared>> -> memref<128x128xf32, #tpu.memory_space<vmem_shared>>
      %dma_start3A_46 = arith.constant 0 : i32
      %dma_start3A_47 = tpu.memref_slice %arg12[%add3A_15, %dma_start3A_46] : memref<10240x128xf32, #tpu.memory_space<vmem_shared>> -> memref<128x128xf32, #tpu.memory_space<vmem_shared>>
      tpu.enqueue_dma source(%arg8 : memref<128x128xf32, #tpu.memory_space<vmem>>) target(%dma_start3A_47 : memref<128x128xf32, #tpu.memory_space<vmem_shared>>) target_semaphore(%run_scoped3A : memref<!tpu.dma_semaphore, #tpu.memory_space<semaphore_mem>>)
      %dma_wait3A = arith.constant 0 : i32
      %dma_wait3A_48 = tpu.memref_slice %arg12[%add3A_15, %dma_wait3A] : memref<10240x128xf32, #tpu.memory_space<vmem_shared>> -> memref<128x128xf32, #tpu.memory_space<vmem_shared>>
      %dma_wait3A_49 = arith.constant 0 : i32
      %dma_wait3A_50 = tpu.memref_slice %arg12[%add3A_15, %dma_wait3A_49] : memref<10240x128xf32, #tpu.memory_space<vmem_shared>> -> memref<128x128xf32, #tpu.memory_space<vmem_shared>>
      tpu.wait_dma2 semaphore(%run_scoped3A : memref<!tpu.dma_semaphore, #tpu.memory_space<semaphore_mem>>) src(%arg8 : memref<128x128xf32, #tpu.memory_space<vmem>>) dst(%dma_wait3A_50 : memref<128x128xf32, #tpu.memory_space<vmem_shared>>)
      tpu.yield
    }) : () -> ()
    %add3A_16 = arith.constant 512 : i32
    %add3A_17 = arith.addi %mul3A_2, %add3A_16 : i32
    "tpu.region"() ({
      %run_scoped3A = tpu.sem_alloc : memref<!tpu.dma_semaphore, #tpu.memory_space<semaphore_mem>>
      %dma_start3A_44 = arith.constant 0 : i32
      %dma_start3A_45 = tpu.memref_slice %arg12[%add3A_17, %dma_start3A_44] : memref<10240x128xf32, #tpu.memory_space<vmem_shared>> -> memref<128x128xf32, #tpu.memory_space<vmem_shared>>
      %dma_start3A_46 = arith.constant 0 : i32
      %dma_start3A_47 = tpu.memref_slice %arg12[%add3A_17, %dma_start3A_46] : memref<10240x128xf32, #tpu.memory_space<vmem_shared>> -> memref<128x128xf32, #tpu.memory_space<vmem_shared>>
      tpu.enqueue_dma source(%arg8 : memref<128x128xf32, #tpu.memory_space<vmem>>) target(%dma_start3A_47 : memref<128x128xf32, #tpu.memory_space<vmem_shared>>) target_semaphore(%run_scoped3A : memref<!tpu.dma_semaphore, #tpu.memory_space<semaphore_mem>>)
      %dma_wait3A = arith.constant 0 : i32
      %dma_wait3A_48 = tpu.memref_slice %arg12[%add3A_17, %dma_wait3A] : memref<10240x128xf32, #tpu.memory_space<vmem_shared>> -> memref<128x128xf32, #tpu.memory_space<vmem_shared>>
      %dma_wait3A_49 = arith.constant 0 : i32
      %dma_wait3A_50 = tpu.memref_slice %arg12[%add3A_17, %dma_wait3A_49] : memref<10240x128xf32, #tpu.memory_space<vmem_shared>> -> memref<128x128xf32, #tpu.memory_space<vmem_shared>>
      tpu.wait_dma2 semaphore(%run_scoped3A : memref<!tpu.dma_semaphore, #tpu.memory_space<semaphore_mem>>) src(%arg8 : memref<128x128xf32, #tpu.memory_space<vmem>>) dst(%dma_wait3A_50 : memref<128x128xf32, #tpu.memory_space<vmem_shared>>)
      tpu.yield
    }) : () -> ()
    "tpu.region"() ({
      %run_scoped3A = tpu.sem_alloc : memref<!tpu.dma_semaphore, #tpu.memory_space<semaphore_mem>>
      %dma_start3A_44 = arith.constant 0 : i32
      %dma_start3A_45 = arith.constant 0 : i32
      %dma_start3A_46 = tpu.memref_slice %arg3[%add3A, %dma_start3A_44, %dma_start3A_45] : memref<32x80x128xi32, #tpu.memory_space<hbm>> -> memref<1x40x128xi32, #tpu.memory_space<hbm>>
      %dma_start3A_47 = tpu.memref_squeeze %dma_start3A_46 : memref<1x40x128xi32, #tpu.memory_space<hbm>> -> memref<40x128xi32, #tpu.memory_space<hbm>>
      %dma_start3A_48 = arith.constant 0 : i32
      %dma_start3A_49 = arith.constant 0 : i32
      %dma_start3A_50 = tpu.memref_slice %arg3[%add3A, %dma_start3A_48, %dma_start3A_49] : memref<32x80x128xi32, #tpu.memory_space<hbm>> -> memref<1x40x128xi32, #tpu.memory_space<hbm>>
      %dma_start3A_51 = tpu.memref_squeeze %dma_start3A_50 : memref<1x40x128xi32, #tpu.memory_space<hbm>> -> memref<40x128xi32, #tpu.memory_space<hbm>>
      tpu.enqueue_dma source(%dma_start3A_51 : memref<40x128xi32, #tpu.memory_space<hbm>>) target(%arg6 : memref<40x128xi32, #tpu.memory_space<vmem>>) target_semaphore(%run_scoped3A : memref<!tpu.dma_semaphore, #tpu.memory_space<semaphore_mem>>)
      %dma_wait3A = arith.constant 0 : i32
      %dma_wait3A_52 = arith.constant 0 : i32
      %dma_wait3A_53 = tpu.memref_slice %arg3[%add3A, %dma_wait3A, %dma_wait3A_52] : memref<32x80x128xi32, #tpu.memory_space<hbm>> -> memref<1x40x128xi32, #tpu.memory_space<hbm>>
      %dma_wait3A_54 = tpu.memref_squeeze %dma_wait3A_53 : memref<1x40x128xi32, #tpu.memory_space<hbm>> -> memref<40x128xi32, #tpu.memory_space<hbm>>
      %dma_wait3A_55 = arith.constant 0 : i32
      %dma_wait3A_56 = arith.constant 0 : i32
      %dma_wait3A_57 = tpu.memref_slice %arg3[%add3A, %dma_wait3A_55, %dma_wait3A_56] : memref<32x80x128xi32, #tpu.memory_space<hbm>> -> memref<1x40x128xi32, #tpu.memory_space<hbm>>
      %dma_wait3A_58 = tpu.memref_squeeze %dma_wait3A_57 : memref<1x40x128xi32, #tpu.memory_space<hbm>> -> memref<40x128xi32, #tpu.memory_space<hbm>>
      tpu.wait_dma2 semaphore(%run_scoped3A : memref<!tpu.dma_semaphore, #tpu.memory_space<semaphore_mem>>) src(%dma_wait3A_58 : memref<40x128xi32, #tpu.memory_space<hbm>>) dst(%arg6 : memref<40x128xi32, #tpu.memory_space<vmem>>)
      tpu.yield
    }) : () -> ()
    "tpu.region"() ({
      %run_scoped3A = tpu.sem_alloc : memref<!tpu.dma_semaphore, #tpu.memory_space<semaphore_mem>>
      %dma_start3A_44 = arith.constant 0 : i32
      %dma_start3A_45 = arith.constant 0 : i32
      %dma_start3A_46 = tpu.memref_slice %arg4[%add3A, %dma_start3A_44, %dma_start3A_45] : memref<32x80x128xi32, #tpu.memory_space<hbm>> -> memref<1x40x128xi32, #tpu.memory_space<hbm>>
      %dma_start3A_47 = tpu.memref_squeeze %dma_start3A_46 : memref<1x40x128xi32, #tpu.memory_space<hbm>> -> memref<40x128xi32, #tpu.memory_space<hbm>>
      %dma_start3A_48 = arith.constant 0 : i32
      %dma_start3A_49 = arith.constant 0 : i32
      %dma_start3A_50 = tpu.memref_slice %arg4[%add3A, %dma_start3A_48, %dma_start3A_49] : memref<32x80x128xi32, #tpu.memory_space<hbm>> -> memref<1x40x128xi32, #tpu.memory_space<hbm>>
      %dma_start3A_51 = tpu.memref_squeeze %dma_start3A_50 : memref<1x40x128xi32, #tpu.memory_space<hbm>> -> memref<40x128xi32, #tpu.memory_space<hbm>>
      tpu.enqueue_dma source(%dma_start3A_51 : memref<40x128xi32, #tpu.memory_space<hbm>>) target(%arg7 : memref<40x128xi32, #tpu.memory_space<vmem>>) target_semaphore(%run_scoped3A : memref<!tpu.dma_semaphore, #tpu.memory_space<semaphore_mem>>)
      %dma_wait3A = arith.constant 0 : i32
      %dma_wait3A_52 = arith.constant 0 : i32
      %dma_wait3A_53 = tpu.memref_slice %arg4[%add3A, %dma_wait3A, %dma_wait3A_52] : memref<32x80x128xi32, #tpu.memory_space<hbm>> -> memref<1x40x128xi32, #tpu.memory_space<hbm>>
      %dma_wait3A_54 = tpu.memref_squeeze %dma_wait3A_53 : memref<1x40x128xi32, #tpu.memory_space<hbm>> -> memref<40x128xi32, #tpu.memory_space<hbm>>
      %dma_wait3A_55 = arith.constant 0 : i32
      %dma_wait3A_56 = arith.constant 0 : i32
      %dma_wait3A_57 = tpu.memref_slice %arg4[%add3A, %dma_wait3A_55, %dma_wait3A_56] : memref<32x80x128xi32, #tpu.memory_space<hbm>> -> memref<1x40x128xi32, #tpu.memory_space<hbm>>
      %dma_wait3A_58 = tpu.memref_squeeze %dma_wait3A_57 : memref<1x40x128xi32, #tpu.memory_space<hbm>> -> memref<40x128xi32, #tpu.memory_space<hbm>>
      tpu.wait_dma2 semaphore(%run_scoped3A : memref<!tpu.dma_semaphore, #tpu.memory_space<semaphore_mem>>) src(%dma_wait3A_58 : memref<40x128xi32, #tpu.memory_space<hbm>>) dst(%arg7 : memref<40x128xi32, #tpu.memory_space<vmem>>)
      tpu.yield
    }) : () -> ()
    %dma_start3A = arith.constant 0 : i32
    %dma_start3A_18 = arith.constant 0 : i32
    %dma_start3A_19 = tpu.memref_slice %arg6[%dma_start3A, %dma_start3A_18] : memref<40x128xi32, #tpu.memory_space<vmem>> -> memref<1x128xi32, #tpu.memory_space<vmem>>
    %dma_start3A_20 = tpu.memref_squeeze %dma_start3A_19 : memref<1x128xi32, #tpu.memory_space<vmem>> -> memref<128xi32, #tpu.memory_space<vmem>>
    %dma_start3A_21 = arith.constant 0 : i32
    %dma_start3A_22 = arith.constant 0 : i32
    %dma_start3A_23 = tpu.memref_slice %arg2[%dma_start3A_21, %dma_start3A_22] : memref<10240x128xf32, #tpu.memory_space<hbm>> -> memref<10240x128xf32, #tpu.memory_space<hbm>>
    tpu.enqueue_indirect_dma source(%dma_start3A_23 : memref<10240x128xf32, #tpu.memory_space<hbm>>) target(%arg8 : memref<128x128xf32, #tpu.memory_space<vmem>>) offsets(%dma_start3A_20 : memref<128xi32, #tpu.memory_space<vmem>>) semaphore(%arg10 : memref<!tpu.dma_semaphore, #tpu.memory_space<semaphore_mem>>)
    %barrier3A = arith.constant 0 : index
    tpu.barrier barrier_id(%barrier3A)
    %scan3A_24 = arith.constant 0 : i32
    %scan3A_25 = arith.constant 0 : i32
    %scan3A_26 = arith.constant 20 : i32
    %scan3A_27 = arith.addi %scan3A_25, %scan3A_26 : i32
    %scan3A_28 = arith.constant 1 : i32
    scf.for %scan3A_44 = %scan3A_25 to %scan3A_27 step %scan3A_28  : i32 {
      %mul3A_45 = arith.constant 2 : i32
      %mul3A_46 = arith.muli %mul3A_45, %scan3A_44 : i32
      %add3A_47 = arith.constant 1 : i32
      %add3A_48 = arith.addi %mul3A_46, %add3A_47 : i32
      %dma_start3A_49 = arith.constant 0 : i32
      %dma_start3A_50 = tpu.memref_slice %arg6[%add3A_48, %dma_start3A_49] : memref<40x128xi32, #tpu.memory_space<vmem>> -> memref<1x128xi32, #tpu.memory_space<vmem>>
      %dma_start3A_51 = tpu.memref_squeeze %dma_start3A_50 : memref<1x128xi32, #tpu.memory_space<vmem>> -> memref<128xi32, #tpu.memory_space<vmem>>
      %dma_start3A_52 = arith.constant 0 : i32
      %dma_start3A_53 = arith.constant 0 : i32
      %dma_start3A_54 = tpu.memref_slice %arg2[%dma_start3A_52, %dma_start3A_53] : memref<10240x128xf32, #tpu.memory_space<hbm>> -> memref<10240x128xf32, #tpu.memory_space<hbm>>
      tpu.enqueue_indirect_dma source(%dma_start3A_54 : memref<10240x128xf32, #tpu.memory_space<hbm>>) target(%arg9 : memref<128x128xf32, #tpu.memory_space<vmem>>) offsets(%dma_start3A_51 : memref<128xi32, #tpu.memory_space<vmem>>) semaphore(%arg11 : memref<!tpu.dma_semaphore, #tpu.memory_space<semaphore_mem>>)
      %dma_wait3A = arith.constant 0 : i32
      %dma_wait3A_55 = arith.constant 0 : i32
      %dma_wait3A_56 = tpu.memref_slice %arg6[%dma_wait3A, %dma_wait3A_55] : memref<40x128xi32, #tpu.memory_space<vmem>> -> memref<1x128xi32, #tpu.memory_space<vmem>>
      %dma_wait3A_57 = tpu.memref_squeeze %dma_wait3A_56 : memref<1x128xi32, #tpu.memory_space<vmem>> -> memref<128xi32, #tpu.memory_space<vmem>>
      %dma_wait3A_58 = arith.constant 0 : i32
      %dma_wait3A_59 = arith.constant 0 : i32
      %dma_wait3A_60 = tpu.memref_slice %arg2[%dma_wait3A_58, %dma_wait3A_59] : memref<10240x128xf32, #tpu.memory_space<hbm>> -> memref<10240x128xf32, #tpu.memory_space<hbm>>
      tpu.wait_indirect_dma semaphore(%arg10 : memref<!tpu.dma_semaphore, #tpu.memory_space<semaphore_mem>>) src(%dma_wait3A_60 : memref<10240x128xf32, #tpu.memory_space<hbm>>) dst(%arg8 : memref<128x128xf32, #tpu.memory_space<vmem>>)
      "tpu.region"() ({
        %run_scoped3A = tpu.sem_alloc : memref<!tpu.dma_semaphore, #tpu.memory_space<semaphore_mem>>
        %dma_start3A_72 = arith.constant 0 : i32
        %dma_start3A_73 = tpu.memref_slice %arg7[%mul3A_46, %dma_start3A_72] : memref<40x128xi32, #tpu.memory_space<vmem>> -> memref<1x128xi32, #tpu.memory_space<vmem>>
        %dma_start3A_74 = tpu.memref_squeeze %dma_start3A_73 : memref<1x128xi32, #tpu.memory_space<vmem>> -> memref<128xi32, #tpu.memory_space<vmem>>
        %dma_start3A_75 = arith.constant 0 : i32
        %dma_start3A_76 = arith.constant 0 : i32
        %dma_start3A_77 = tpu.memref_slice %arg12[%dma_start3A_75, %dma_start3A_76] : memref<10240x128xf32, #tpu.memory_space<vmem_shared>> -> memref<10240x128xf32, #tpu.memory_space<vmem_shared>>
        tpu.enqueue_indirect_dma source(%arg8 : memref<128x128xf32, #tpu.memory_space<vmem>>) target(%dma_start3A_77 : memref<10240x128xf32, #tpu.memory_space<vmem_shared>>) offsets(%dma_start3A_74 : memref<128xi32, #tpu.memory_space<vmem>>) semaphore(%run_scoped3A : memref<!tpu.dma_semaphore, #tpu.memory_space<semaphore_mem>>) {add = true}
        %dma_wait3A_78 = arith.constant 0 : i32
        %dma_wait3A_79 = tpu.memref_slice %arg7[%mul3A_46, %dma_wait3A_78] : memref<40x128xi32, #tpu.memory_space<vmem>> -> memref<1x128xi32, #tpu.memory_space<vmem>>
        %dma_wait3A_80 = tpu.memref_squeeze %dma_wait3A_79 : memref<1x128xi32, #tpu.memory_space<vmem>> -> memref<128xi32, #tpu.memory_space<vmem>>
        %dma_wait3A_81 = arith.constant 0 : i32
        %dma_wait3A_82 = arith.constant 0 : i32
        %dma_wait3A_83 = tpu.memref_slice %arg12[%dma_wait3A_81, %dma_wait3A_82] : memref<10240x128xf32, #tpu.memory_space<vmem_shared>> -> memref<10240x128xf32, #tpu.memory_space<vmem_shared>>
        tpu.wait_indirect_dma semaphore(%run_scoped3A : memref<!tpu.dma_semaphore, #tpu.memory_space<semaphore_mem>>) src(%arg8 : memref<128x128xf32, #tpu.memory_space<vmem>>) dst(%dma_wait3A_83 : memref<10240x128xf32, #tpu.memory_space<vmem_shared>>)
        tpu.yield
      }) : () -> ()
      %lt3A = arith.constant 19 : i32
      %lt3A_61 = arith.cmpi slt, %scan3A_44, %lt3A : i32
      %convert_element_type3A = arith.extui %lt3A_61 : i1 to i32
      %cond3A = arith.constant 0 : i32
      %cond3A_62 = arith.cmpi ne, %convert_element_type3A, %cond3A : i32
      scf.if %cond3A_62 {
        %add3A_72 = arith.constant 2 : i32
        %add3A_73 = arith.addi %mul3A_46, %add3A_72 : i32
        %dma_start3A_74 = arith.constant 0 : i32
        %dma_start3A_75 = tpu.memref_slice %arg6[%add3A_73, %dma_start3A_74] : memref<40x128xi32, #tpu.memory_space<vmem>> -> memref<1x128xi32, #tpu.memory_space<vmem>>
        %dma_start3A_76 = tpu.memref_squeeze %dma_start3A_75 : memref<1x128xi32, #tpu.memory_space<vmem>> -> memref<128xi32, #tpu.memory_space<vmem>>
        %dma_start3A_77 = arith.constant 0 : i32
        %dma_start3A_78 = arith.constant 0 : i32
        %dma_start3A_79 = tpu.memref_slice %arg2[%dma_start3A_77, %dma_start3A_78] : memref<10240x128xf32, #tpu.memory_space<hbm>> -> memref<10240x128xf32, #tpu.memory_space<hbm>>
        tpu.enqueue_indirect_dma source(%dma_start3A_79 : memref<10240x128xf32, #tpu.memory_space<hbm>>) target(%arg8 : memref<128x128xf32, #tpu.memory_space<vmem>>) offsets(%dma_start3A_76 : memref<128xi32, #tpu.memory_space<vmem>>) semaphore(%arg10 : memref<!tpu.dma_semaphore, #tpu.memory_space<semaphore_mem>>)
      } else {
      }
      %dma_wait3A_63 = arith.constant 0 : i32
      %dma_wait3A_64 = arith.constant 0 : i32
      %dma_wait3A_65 = tpu.memref_slice %arg6[%dma_wait3A_63, %dma_wait3A_64] : memref<40x128xi32, #tpu.memory_space<vmem>> -> memref<1x128xi32, #tpu.memory_space<vmem>>
      %dma_wait3A_66 = tpu.memref_squeeze %dma_wait3A_65 : memref<1x128xi32, #tpu.memory_space<vmem>> -> memref<128xi32, #tpu.memory_space<vmem>>
      %dma_wait3A_67 = arith.constant 0 : i32
      %dma_wait3A_68 = arith.constant 0 : i32
      %dma_wait3A_69 = tpu.memref_slice %arg2[%dma_wait3A_67, %dma_wait3A_68] : memref<10240x128xf32, #tpu.memory_space<hbm>> -> memref<10240x128xf32, #tpu.memory_space<hbm>>
      tpu.wait_indirect_dma semaphore(%arg11 : memref<!tpu.dma_semaphore, #tpu.memory_space<semaphore_mem>>) src(%dma_wait3A_69 : memref<10240x128xf32, #tpu.memory_space<hbm>>) dst(%arg9 : memref<128x128xf32, #tpu.memory_space<vmem>>)
      %add3A_70 = arith.constant 1 : i32
      %add3A_71 = arith.addi %mul3A_46, %add3A_70 : i32
      "tpu.region"() ({
        %run_scoped3A = tpu.sem_alloc : memref<!tpu.dma_semaphore, #tpu.memory_space<semaphore_mem>>
        %dma_start3A_72 = arith.constant 0 : i32
        %dma_start3A_73 = tpu.memref_slice %arg7[%add3A_71, %dma_start3A_72] : memref<40x128xi32, #tpu.memory_space<vmem>> -> memref<1x128xi32, #tpu.memory_space<vmem>>
        %dma_start3A_74 = tpu.memref_squeeze %dma_start3A_73 : memref<1x128xi32, #tpu.memory_space<vmem>> -> memref<128xi32, #tpu.memory_space<vmem>>
        %dma_start3A_75 = arith.constant 0 : i32
        %dma_start3A_76 = arith.constant 0 : i32
        %dma_start3A_77 = tpu.memref_slice %arg12[%dma_start3A_75, %dma_start3A_76] : memref<10240x128xf32, #tpu.memory_space<vmem_shared>> -> memref<10240x128xf32, #tpu.memory_space<vmem_shared>>
        tpu.enqueue_indirect_dma source(%arg9 : memref<128x128xf32, #tpu.memory_space<vmem>>) target(%dma_start3A_77 : memref<10240x128xf32, #tpu.memory_space<vmem_shared>>) offsets(%dma_start3A_74 : memref<128xi32, #tpu.memory_space<vmem>>) semaphore(%run_scoped3A : memref<!tpu.dma_semaphore, #tpu.memory_space<semaphore_mem>>) {add = true}
        %dma_wait3A_78 = arith.constant 0 : i32
        %dma_wait3A_79 = tpu.memref_slice %arg7[%add3A_71, %dma_wait3A_78] : memref<40x128xi32, #tpu.memory_space<vmem>> -> memref<1x128xi32, #tpu.memory_space<vmem>>
        %dma_wait3A_80 = tpu.memref_squeeze %dma_wait3A_79 : memref<1x128xi32, #tpu.memory_space<vmem>> -> memref<128xi32, #tpu.memory_space<vmem>>
        %dma_wait3A_81 = arith.constant 0 : i32
        %dma_wait3A_82 = arith.constant 0 : i32
        %dma_wait3A_83 = tpu.memref_slice %arg12[%dma_wait3A_81, %dma_wait3A_82] : memref<10240x128xf32, #tpu.memory_space<vmem_shared>> -> memref<10240x128xf32, #tpu.memory_space<vmem_shared>>
        tpu.wait_indirect_dma semaphore(%run_scoped3A : memref<!tpu.dma_semaphore, #tpu.memory_space<semaphore_mem>>) src(%arg9 : memref<128x128xf32, #tpu.memory_space<vmem>>) dst(%dma_wait3A_83 : memref<10240x128xf32, #tpu.memory_space<vmem_shared>>)
        tpu.yield
      }) : () -> ()
    }
    %scan3A_29 = arith.constant 20 : i32
    "tpu.region"() ({
      %run_scoped3A = tpu.sem_alloc : memref<!tpu.dma_semaphore, #tpu.memory_space<semaphore_mem>>
      %dma_start3A_44 = arith.constant 40 : i32
      %dma_start3A_45 = arith.constant 0 : i32
      %dma_start3A_46 = tpu.memref_slice %arg3[%add3A, %dma_start3A_44, %dma_start3A_45] : memref<32x80x128xi32, #tpu.memory_space<hbm>> -> memref<1x40x128xi32, #tpu.memory_space<hbm>>
      %dma_start3A_47 = tpu.memref_squeeze %dma_start3A_46 : memref<1x40x128xi32, #tpu.memory_space<hbm>> -> memref<40x128xi32, #tpu.memory_space<hbm>>
      %dma_start3A_48 = arith.constant 40 : i32
      %dma_start3A_49 = arith.constant 0 : i32
      %dma_start3A_50 = tpu.memref_slice %arg3[%add3A, %dma_start3A_48, %dma_start3A_49] : memref<32x80x128xi32, #tpu.memory_space<hbm>> -> memref<1x40x128xi32, #tpu.memory_space<hbm>>
      %dma_start3A_51 = tpu.memref_squeeze %dma_start3A_50 : memref<1x40x128xi32, #tpu.memory_space<hbm>> -> memref<40x128xi32, #tpu.memory_space<hbm>>
      tpu.enqueue_dma source(%dma_start3A_51 : memref<40x128xi32, #tpu.memory_space<hbm>>) target(%arg6 : memref<40x128xi32, #tpu.memory_space<vmem>>) target_semaphore(%run_scoped3A : memref<!tpu.dma_semaphore, #tpu.memory_space<semaphore_mem>>)
      %dma_wait3A = arith.constant 40 : i32
      %dma_wait3A_52 = arith.constant 0 : i32
      %dma_wait3A_53 = tpu.memref_slice %arg3[%add3A, %dma_wait3A, %dma_wait3A_52] : memref<32x80x128xi32, #tpu.memory_space<hbm>> -> memref<1x40x128xi32, #tpu.memory_space<hbm>>
      %dma_wait3A_54 = tpu.memref_squeeze %dma_wait3A_53 : memref<1x40x128xi32, #tpu.memory_space<hbm>> -> memref<40x128xi32, #tpu.memory_space<hbm>>
      %dma_wait3A_55 = arith.constant 40 : i32
      %dma_wait3A_56 = arith.constant 0 : i32
      %dma_wait3A_57 = tpu.memref_slice %arg3[%add3A, %dma_wait3A_55, %dma_wait3A_56] : memref<32x80x128xi32, #tpu.memory_space<hbm>> -> memref<1x40x128xi32, #tpu.memory_space<hbm>>
      %dma_wait3A_58 = tpu.memref_squeeze %dma_wait3A_57 : memref<1x40x128xi32, #tpu.memory_space<hbm>> -> memref<40x128xi32, #tpu.memory_space<hbm>>
      tpu.wait_dma2 semaphore(%run_scoped3A : memref<!tpu.dma_semaphore, #tpu.memory_space<semaphore_mem>>) src(%dma_wait3A_58 : memref<40x128xi32, #tpu.memory_space<hbm>>) dst(%arg6 : memref<40x128xi32, #tpu.memory_space<vmem>>)
      tpu.yield
    }) : () -> ()
    "tpu.region"() ({
      %run_scoped3A = tpu.sem_alloc : memref<!tpu.dma_semaphore, #tpu.memory_space<semaphore_mem>>
      %dma_start3A_44 = arith.constant 40 : i32
      %dma_start3A_45 = arith.constant 0 : i32
      %dma_start3A_46 = tpu.memref_slice %arg4[%add3A, %dma_start3A_44, %dma_start3A_45] : memref<32x80x128xi32, #tpu.memory_space<hbm>> -> memref<1x40x128xi32, #tpu.memory_space<hbm>>
      %dma_start3A_47 = tpu.memref_squeeze %dma_start3A_46 : memref<1x40x128xi32, #tpu.memory_space<hbm>> -> memref<40x128xi32, #tpu.memory_space<hbm>>
      %dma_start3A_48 = arith.constant 40 : i32
      %dma_start3A_49 = arith.constant 0 : i32
      %dma_start3A_50 = tpu.memref_slice %arg4[%add3A, %dma_start3A_48, %dma_start3A_49] : memref<32x80x128xi32, #tpu.memory_space<hbm>> -> memref<1x40x128xi32, #tpu.memory_space<hbm>>
      %dma_start3A_51 = tpu.memref_squeeze %dma_start3A_50 : memref<1x40x128xi32, #tpu.memory_space<hbm>> -> memref<40x128xi32, #tpu.memory_space<hbm>>
      tpu.enqueue_dma source(%dma_start3A_51 : memref<40x128xi32, #tpu.memory_space<hbm>>) target(%arg7 : memref<40x128xi32, #tpu.memory_space<vmem>>) target_semaphore(%run_scoped3A : memref<!tpu.dma_semaphore, #tpu.memory_space<semaphore_mem>>)
      %dma_wait3A = arith.constant 40 : i32
      %dma_wait3A_52 = arith.constant 0 : i32
      %dma_wait3A_53 = tpu.memref_slice %arg4[%add3A, %dma_wait3A, %dma_wait3A_52] : memref<32x80x128xi32, #tpu.memory_space<hbm>> -> memref<1x40x128xi32, #tpu.memory_space<hbm>>
      %dma_wait3A_54 = tpu.memref_squeeze %dma_wait3A_53 : memref<1x40x128xi32, #tpu.memory_space<hbm>> -> memref<40x128xi32, #tpu.memory_space<hbm>>
      %dma_wait3A_55 = arith.constant 40 : i32
      %dma_wait3A_56 = arith.constant 0 : i32
      %dma_wait3A_57 = tpu.memref_slice %arg4[%add3A, %dma_wait3A_55, %dma_wait3A_56] : memref<32x80x128xi32, #tpu.memory_space<hbm>> -> memref<1x40x128xi32, #tpu.memory_space<hbm>>
      %dma_wait3A_58 = tpu.memref_squeeze %dma_wait3A_57 : memref<1x40x128xi32, #tpu.memory_space<hbm>> -> memref<40x128xi32, #tpu.memory_space<hbm>>
      tpu.wait_dma2 semaphore(%run_scoped3A : memref<!tpu.dma_semaphore, #tpu.memory_space<semaphore_mem>>) src(%dma_wait3A_58 : memref<40x128xi32, #tpu.memory_space<hbm>>) dst(%arg7 : memref<40x128xi32, #tpu.memory_space<vmem>>)
      tpu.yield
    }) : () -> ()
    %dma_start3A_30 = arith.constant 0 : i32
    %dma_start3A_31 = arith.constant 0 : i32
    %dma_start3A_32 = tpu.memref_slice %arg6[%dma_start3A_30, %dma_start3A_31] : memref<40x128xi32, #tpu.memory_space<vmem>> -> memref<1x128xi32, #tpu.memory_space<vmem>>
    %dma_start3A_33 = tpu.memref_squeeze %dma_start3A_32 : memref<1x128xi32, #tpu.memory_space<vmem>> -> memref<128xi32, #tpu.memory_space<vmem>>
    %dma_start3A_34 = arith.constant 0 : i32
    %dma_start3A_35 = arith.constant 0 : i32
    %dma_start3A_36 = tpu.memref_slice %arg2[%dma_start3A_34, %dma_start3A_35] : memref<10240x128xf32, #tpu.memory_space<hbm>> -> memref<10240x128xf32, #tpu.memory_space<hbm>>
    tpu.enqueue_indirect_dma source(%dma_start3A_36 : memref<10240x128xf32, #tpu.memory_space<hbm>>) target(%arg8 : memref<128x128xf32, #tpu.memory_space<vmem>>) offsets(%dma_start3A_33 : memref<128xi32, #tpu.memory_space<vmem>>) semaphore(%arg10 : memref<!tpu.dma_semaphore, #tpu.memory_space<semaphore_mem>>)
    %scan3A_37 = arith.constant 0 : i32
    %scan3A_38 = arith.constant 0 : i32
    %scan3A_39 = arith.constant 20 : i32
    %scan3A_40 = arith.addi %scan3A_38, %scan3A_39 : i32
    %scan3A_41 = arith.constant 1 : i32
    scf.for %scan3A_44 = %scan3A_38 to %scan3A_40 step %scan3A_41  : i32 {
      %mul3A_45 = arith.constant 2 : i32
      %mul3A_46 = arith.muli %mul3A_45, %scan3A_44 : i32
      %add3A_47 = arith.constant 1 : i32
      %add3A_48 = arith.addi %mul3A_46, %add3A_47 : i32
      %dma_start3A_49 = arith.constant 0 : i32
      %dma_start3A_50 = tpu.memref_slice %arg6[%add3A_48, %dma_start3A_49] : memref<40x128xi32, #tpu.memory_space<vmem>> -> memref<1x128xi32, #tpu.memory_space<vmem>>
      %dma_start3A_51 = tpu.memref_squeeze %dma_start3A_50 : memref<1x128xi32, #tpu.memory_space<vmem>> -> memref<128xi32, #tpu.memory_space<vmem>>
      %dma_start3A_52 = arith.constant 0 : i32
      %dma_start3A_53 = arith.constant 0 : i32
      %dma_start3A_54 = tpu.memref_slice %arg2[%dma_start3A_52, %dma_start3A_53] : memref<10240x128xf32, #tpu.memory_space<hbm>> -> memref<10240x128xf32, #tpu.memory_space<hbm>>
      tpu.enqueue_indirect_dma source(%dma_start3A_54 : memref<10240x128xf32, #tpu.memory_space<hbm>>) target(%arg9 : memref<128x128xf32, #tpu.memory_space<vmem>>) offsets(%dma_start3A_51 : memref<128xi32, #tpu.memory_space<vmem>>) semaphore(%arg11 : memref<!tpu.dma_semaphore, #tpu.memory_space<semaphore_mem>>)
      %dma_wait3A = arith.constant 0 : i32
      %dma_wait3A_55 = arith.constant 0 : i32
      %dma_wait3A_56 = tpu.memref_slice %arg6[%dma_wait3A, %dma_wait3A_55] : memref<40x128xi32, #tpu.memory_space<vmem>> -> memref<1x128xi32, #tpu.memory_space<vmem>>
      %dma_wait3A_57 = tpu.memref_squeeze %dma_wait3A_56 : memref<1x128xi32, #tpu.memory_space<vmem>> -> memref<128xi32, #tpu.memory_space<vmem>>
      %dma_wait3A_58 = arith.constant 0 : i32
      %dma_wait3A_59 = arith.constant 0 : i32
      %dma_wait3A_60 = tpu.memref_slice %arg2[%dma_wait3A_58, %dma_wait3A_59] : memref<10240x128xf32, #tpu.memory_space<hbm>> -> memref<10240x128xf32, #tpu.memory_space<hbm>>
      tpu.wait_indirect_dma semaphore(%arg10 : memref<!tpu.dma_semaphore, #tpu.memory_space<semaphore_mem>>) src(%dma_wait3A_60 : memref<10240x128xf32, #tpu.memory_space<hbm>>) dst(%arg8 : memref<128x128xf32, #tpu.memory_space<vmem>>)
      "tpu.region"() ({
        %run_scoped3A = tpu.sem_alloc : memref<!tpu.dma_semaphore, #tpu.memory_space<semaphore_mem>>
        %dma_start3A_72 = arith.constant 0 : i32
        %dma_start3A_73 = tpu.memref_slice %arg7[%mul3A_46, %dma_start3A_72] : memref<40x128xi32, #tpu.memory_space<vmem>> -> memref<1x128xi32, #tpu.memory_space<vmem>>
        %dma_start3A_74 = tpu.memref_squeeze %dma_start3A_73 : memref<1x128xi32, #tpu.memory_space<vmem>> -> memref<128xi32, #tpu.memory_space<vmem>>
        %dma_start3A_75 = arith.constant 0 : i32
        %dma_start3A_76 = arith.constant 0 : i32
        %dma_start3A_77 = tpu.memref_slice %arg12[%dma_start3A_75, %dma_start3A_76] : memref<10240x128xf32, #tpu.memory_space<vmem_shared>> -> memref<10240x128xf32, #tpu.memory_space<vmem_shared>>
        tpu.enqueue_indirect_dma source(%arg8 : memref<128x128xf32, #tpu.memory_space<vmem>>) target(%dma_start3A_77 : memref<10240x128xf32, #tpu.memory_space<vmem_shared>>) offsets(%dma_start3A_74 : memref<128xi32, #tpu.memory_space<vmem>>) semaphore(%run_scoped3A : memref<!tpu.dma_semaphore, #tpu.memory_space<semaphore_mem>>) {add = true}
        %dma_wait3A_78 = arith.constant 0 : i32
        %dma_wait3A_79 = tpu.memref_slice %arg7[%mul3A_46, %dma_wait3A_78] : memref<40x128xi32, #tpu.memory_space<vmem>> -> memref<1x128xi32, #tpu.memory_space<vmem>>
        %dma_wait3A_80 = tpu.memref_squeeze %dma_wait3A_79 : memref<1x128xi32, #tpu.memory_space<vmem>> -> memref<128xi32, #tpu.memory_space<vmem>>
        %dma_wait3A_81 = arith.constant 0 : i32
        %dma_wait3A_82 = arith.constant 0 : i32
        %dma_wait3A_83 = tpu.memref_slice %arg12[%dma_wait3A_81, %dma_wait3A_82] : memref<10240x128xf32, #tpu.memory_space<vmem_shared>> -> memref<10240x128xf32, #tpu.memory_space<vmem_shared>>
        tpu.wait_indirect_dma semaphore(%run_scoped3A : memref<!tpu.dma_semaphore, #tpu.memory_space<semaphore_mem>>) src(%arg8 : memref<128x128xf32, #tpu.memory_space<vmem>>) dst(%dma_wait3A_83 : memref<10240x128xf32, #tpu.memory_space<vmem_shared>>)
        tpu.yield
      }) : () -> ()
      %lt3A = arith.constant 19 : i32
      %lt3A_61 = arith.cmpi slt, %scan3A_44, %lt3A : i32
      %convert_element_type3A = arith.extui %lt3A_61 : i1 to i32
      %cond3A = arith.constant 0 : i32
      %cond3A_62 = arith.cmpi ne, %convert_element_type3A, %cond3A : i32
      scf.if %cond3A_62 {
        %add3A_72 = arith.constant 2 : i32
        %add3A_73 = arith.addi %mul3A_46, %add3A_72 : i32
        %dma_start3A_74 = arith.constant 0 : i32
        %dma_start3A_75 = tpu.memref_slice %arg6[%add3A_73, %dma_start3A_74] : memref<40x128xi32, #tpu.memory_space<vmem>> -> memref<1x128xi32, #tpu.memory_space<vmem>>
        %dma_start3A_76 = tpu.memref_squeeze %dma_start3A_75 : memref<1x128xi32, #tpu.memory_space<vmem>> -> memref<128xi32, #tpu.memory_space<vmem>>
        %dma_start3A_77 = arith.constant 0 : i32
        %dma_start3A_78 = arith.constant 0 : i32
        %dma_start3A_79 = tpu.memref_slice %arg2[%dma_start3A_77, %dma_start3A_78] : memref<10240x128xf32, #tpu.memory_space<hbm>> -> memref<10240x128xf32, #tpu.memory_space<hbm>>
        tpu.enqueue_indirect_dma source(%dma_start3A_79 : memref<10240x128xf32, #tpu.memory_space<hbm>>) target(%arg8 : memref<128x128xf32, #tpu.memory_space<vmem>>) offsets(%dma_start3A_76 : memref<128xi32, #tpu.memory_space<vmem>>) semaphore(%arg10 : memref<!tpu.dma_semaphore, #tpu.memory_space<semaphore_mem>>)
      } else {
      }
      %dma_wait3A_63 = arith.constant 0 : i32
      %dma_wait3A_64 = arith.constant 0 : i32
      %dma_wait3A_65 = tpu.memref_slice %arg6[%dma_wait3A_63, %dma_wait3A_64] : memref<40x128xi32, #tpu.memory_space<vmem>> -> memref<1x128xi32, #tpu.memory_space<vmem>>
      %dma_wait3A_66 = tpu.memref_squeeze %dma_wait3A_65 : memref<1x128xi32, #tpu.memory_space<vmem>> -> memref<128xi32, #tpu.memory_space<vmem>>
      %dma_wait3A_67 = arith.constant 0 : i32
      %dma_wait3A_68 = arith.constant 0 : i32
      %dma_wait3A_69 = tpu.memref_slice %arg2[%dma_wait3A_67, %dma_wait3A_68] : memref<10240x128xf32, #tpu.memory_space<hbm>> -> memref<10240x128xf32, #tpu.memory_space<hbm>>
      tpu.wait_indirect_dma semaphore(%arg11 : memref<!tpu.dma_semaphore, #tpu.memory_space<semaphore_mem>>) src(%dma_wait3A_69 : memref<10240x128xf32, #tpu.memory_space<hbm>>) dst(%arg9 : memref<128x128xf32, #tpu.memory_space<vmem>>)
      %add3A_70 = arith.constant 1 : i32
      %add3A_71 = arith.addi %mul3A_46, %add3A_70 : i32
      "tpu.region"() ({
        %run_scoped3A = tpu.sem_alloc : memref<!tpu.dma_semaphore, #tpu.memory_space<semaphore_mem>>
        %dma_start3A_72 = arith.constant 0 : i32
        %dma_start3A_73 = tpu.memref_slice %arg7[%add3A_71, %dma_start3A_72] : memref<40x128xi32, #tpu.memory_space<vmem>> -> memref<1x128xi32, #tpu.memory_space<vmem>>
        %dma_start3A_74 = tpu.memref_squeeze %dma_start3A_73 : memref<1x128xi32, #tpu.memory_space<vmem>> -> memref<128xi32, #tpu.memory_space<vmem>>
        %dma_start3A_75 = arith.constant 0 : i32
        %dma_start3A_76 = arith.constant 0 : i32
        %dma_start3A_77 = tpu.memref_slice %arg12[%dma_start3A_75, %dma_start3A_76] : memref<10240x128xf32, #tpu.memory_space<vmem_shared>> -> memref<10240x128xf32, #tpu.memory_space<vmem_shared>>
        tpu.enqueue_indirect_dma source(%arg9 : memref<128x128xf32, #tpu.memory_space<vmem>>) target(%dma_start3A_77 : memref<10240x128xf32, #tpu.memory_space<vmem_shared>>) offsets(%dma_start3A_74 : memref<128xi32, #tpu.memory_space<vmem>>) semaphore(%run_scoped3A : memref<!tpu.dma_semaphore, #tpu.memory_space<semaphore_mem>>) {add = true}
        %dma_wait3A_78 = arith.constant 0 : i32
        %dma_wait3A_79 = tpu.memref_slice %arg7[%add3A_71, %dma_wait3A_78] : memref<40x128xi32, #tpu.memory_space<vmem>> -> memref<1x128xi32, #tpu.memory_space<vmem>>
        %dma_wait3A_80 = tpu.memref_squeeze %dma_wait3A_79 : memref<1x128xi32, #tpu.memory_space<vmem>> -> memref<128xi32, #tpu.memory_space<vmem>>
        %dma_wait3A_81 = arith.constant 0 : i32
        %dma_wait3A_82 = arith.constant 0 : i32
        %dma_wait3A_83 = tpu.memref_slice %arg12[%dma_wait3A_81, %dma_wait3A_82] : memref<10240x128xf32, #tpu.memory_space<vmem_shared>> -> memref<10240x128xf32, #tpu.memory_space<vmem_shared>>
        tpu.wait_indirect_dma semaphore(%run_scoped3A : memref<!tpu.dma_semaphore, #tpu.memory_space<semaphore_mem>>) src(%arg9 : memref<128x128xf32, #tpu.memory_space<vmem>>) dst(%dma_wait3A_83 : memref<10240x128xf32, #tpu.memory_space<vmem_shared>>)
        tpu.yield
      }) : () -> ()
    }
    %scan3A_42 = arith.constant 20 : i32
    %barrier3A_43 = arith.constant 0 : index
    tpu.barrier barrier_id(%barrier3A_43)
    "tpu.region"() ({
      %run_scoped3A = tpu.sem_alloc : memref<!tpu.dma_semaphore, #tpu.memory_space<semaphore_mem>>
      %dma_start3A_44 = arith.constant 0 : i32
      %dma_start3A_45 = tpu.memref_slice %arg5[%arg0, %mul3A_2, %dma_start3A_44] : memref<2x10240x128xf32, #tpu.memory_space<hbm>> -> memref<1x640x128xf32, #tpu.memory_space<hbm>>
      %dma_start3A_46 = tpu.memref_squeeze %dma_start3A_45 : memref<1x640x128xf32, #tpu.memory_space<hbm>> -> memref<640x128xf32, #tpu.memory_space<hbm>>
      %dma_start3A_47 = arith.constant 0 : i32
      %dma_start3A_48 = tpu.memref_slice %arg12[%mul3A_2, %dma_start3A_47] : memref<10240x128xf32, #tpu.memory_space<vmem_shared>> -> memref<640x128xf32, #tpu.memory_space<vmem_shared>>
      tpu.enqueue_dma source(%dma_start3A_48 : memref<640x128xf32, #tpu.memory_space<vmem_shared>>) target(%dma_start3A_46 : memref<640x128xf32, #tpu.memory_space<hbm>>) target_semaphore(%run_scoped3A : memref<!tpu.dma_semaphore, #tpu.memory_space<semaphore_mem>>)
      %dma_wait3A = arith.constant 0 : i32
      %dma_wait3A_49 = tpu.memref_slice %arg5[%arg0, %mul3A_2, %dma_wait3A] : memref<2x10240x128xf32, #tpu.memory_space<hbm>> -> memref<1x640x128xf32, #tpu.memory_space<hbm>>
      %dma_wait3A_50 = tpu.memref_squeeze %dma_wait3A_49 : memref<1x640x128xf32, #tpu.memory_space<hbm>> -> memref<640x128xf32, #tpu.memory_space<hbm>>
      %dma_wait3A_51 = arith.constant 0 : i32
      %dma_wait3A_52 = tpu.memref_slice %arg12[%mul3A_2, %dma_wait3A_51] : memref<10240x128xf32, #tpu.memory_space<vmem_shared>> -> memref<640x128xf32, #tpu.memory_space<vmem_shared>>
      tpu.wait_dma2 semaphore(%run_scoped3A : memref<!tpu.dma_semaphore, #tpu.memory_space<semaphore_mem>>) src(%dma_wait3A_52 : memref<640x128xf32, #tpu.memory_space<vmem_shared>>) dst(%dma_wait3A_50 : memref<640x128xf32, #tpu.memory_space<hbm>>)
      tpu.yield
    }) : () -> ()
    return
  }
}

module attributes {stable_mosaic.version = 14 : i64} {
  func.func @_tc_body(%arg0: i32, %arg1: memref<2x1280x128xf32, #tpu.memory_space<vmem>>, %arg2: memref<2x1280xf32, #tpu.memory_space<vmem>>, %arg3: memref<1280x128xf32, #tpu.memory_space<vmem>>, %arg4: memref<128x128xf32, #tpu.memory_space<vmem>>, %arg5: memref<128x128xf32, #tpu.memory_space<vmem>>, %arg6: memref<1x128xf32, #tpu.memory_space<vmem>>, %arg7: memref<1280x128xf32, #tpu.memory_space<vmem>>) attributes {dimension_semantics = [#tpu.dimension_semantics<arbitrary>], iteration_bounds = array<i64: 8>, scalar_prefetch = 0 : i64, scratch_operands = 0 : i64, tpu.core_type = #tpu.core_type<tc>, window_params = [{transform_indices = @transform_0, window_bounds = array<i64: 2, 1280, 128>}, {transform_indices = @transform_1, window_bounds = array<i64: 2, 1280>}, {transform_indices = @transform_2, window_bounds = array<i64: 1280, 128>}, {pipeline_mode = #tpu.pipeline_mode<synchronous>, transform_indices = @transform_3, window_bounds = array<i64: 128, 128>}, {pipeline_mode = #tpu.pipeline_mode<synchronous>, transform_indices = @transform_4, window_bounds = array<i64: 128, 128>}, {pipeline_mode = #tpu.pipeline_mode<synchronous>, transform_indices = @transform_5, window_bounds = array<i64: 1, 128>}, {transform_indices = @transform_6, window_bounds = array<i64: 1280, 128>}]} {
    %get3A = arith.constant 0 : index
    %get3A_0 = arith.constant 0 : index
    %get3A_1 = arith.constant 0 : index
    %get3A_2 = vector.load %arg1[%get3A, %get3A_0, %get3A_1] : memref<2x1280x128xf32, #tpu.memory_space<vmem>>, vector<1x1280x128xf32>
    %get3A_3 = vector.shape_cast %get3A_2 : vector<1x1280x128xf32> to vector<1280x128xf32>
    %get3A_4 = arith.constant 1 : index
    %get3A_5 = arith.constant 0 : index
    %get3A_6 = arith.constant 0 : index
    %get3A_7 = vector.load %arg1[%get3A_4, %get3A_5, %get3A_6] : memref<2x1280x128xf32, #tpu.memory_space<vmem>>, vector<1x1280x128xf32>
    %get3A_8 = vector.shape_cast %get3A_7 : vector<1x1280x128xf32> to vector<1280x128xf32>
    %add3A = arith.addf %get3A_3, %get3A_8 : vector<1280x128xf32>
    %get3A_9 = arith.constant 0 : index
    %get3A_10 = arith.constant 0 : index
    %get3A_11 = vector.load %arg2[%get3A_9, %get3A_10] : memref<2x1280xf32, #tpu.memory_space<vmem>>, vector<1x1280xf32>
    %get3A_12 = vector.shape_cast %get3A_11 : vector<1x1280xf32> to vector<1280xf32>
    %get3A_13 = arith.constant 1 : index
    %get3A_14 = arith.constant 0 : index
    %get3A_15 = vector.load %arg2[%get3A_13, %get3A_14] : memref<2x1280xf32, #tpu.memory_space<vmem>>, vector<1x1280xf32>
    %get3A_16 = vector.shape_cast %get3A_15 : vector<1x1280xf32> to vector<1280xf32>
    %add3A_17 = arith.addf %get3A_12, %get3A_16 : vector<1280xf32>
    %max3A = arith.constant 1.000000e+00 : f32
    %max3A_18 = vector.broadcast %max3A : f32 to vector<1280xf32>
    %max3A_19 = arith.maximumf %add3A_17, %max3A_18 : vector<1280xf32>
    %div3A = arith.constant 1.000000e+00 : f32
    %div3A_20 = vector.broadcast %div3A : f32 to vector<1280xf32>
    %div3A_21 = arith.divf %div3A_20, %max3A_19 : vector<1280xf32>
    %broadcast_in_dim3A = vector.shape_cast %div3A_21 : vector<1280xf32> to vector<1280x1xf32>
    %mul3A = vector.broadcast %broadcast_in_dim3A : vector<1280x1xf32> to vector<1280x128xf32>
    %mul3A_22 = arith.mulf %add3A, %mul3A : vector<1280x128xf32>
    %get3A_23 = arith.constant 0 : index
    %get3A_24 = arith.constant 0 : index
    %get3A_25 = vector.load %arg4[%get3A_23, %get3A_24] : memref<128x128xf32, #tpu.memory_space<vmem>>, vector<128x128xf32>
    %dot_general3A = arith.constant dense<0.000000e+00> : vector<1280x128xf32>
    %dot_general3A_26 = tpu.matmul %mul3A_22, %get3A_25, %dot_general3A {dimension_numbers = #tpu.dot_dimension_numbers<[1], [0], [0], [1], [0, 0, 1, 1], [], []>, transpose_lhs_hint = false} : vector<1280x128xf32>, vector<128x128xf32>, vector<1280x128xf32> -> vector<1280x128xf32>
    %get3A_27 = arith.constant 0 : index
    %get3A_28 = arith.constant 0 : index
    %get3A_29 = vector.load %arg3[%get3A_27, %get3A_28] : memref<1280x128xf32, #tpu.memory_space<vmem>>, vector<1280x128xf32>
    %get3A_30 = arith.constant 0 : index
    %get3A_31 = arith.constant 0 : index
    %get3A_32 = vector.load %arg5[%get3A_30, %get3A_31] : memref<128x128xf32, #tpu.memory_space<vmem>>, vector<128x128xf32>
    %dot_general3A_33 = arith.constant dense<0.000000e+00> : vector<1280x128xf32>
    %dot_general3A_34 = tpu.matmul %get3A_29, %get3A_32, %dot_general3A_33 {dimension_numbers = #tpu.dot_dimension_numbers<[1], [0], [0], [1], [0, 0, 1, 1], [], []>, transpose_lhs_hint = false} : vector<1280x128xf32>, vector<128x128xf32>, vector<1280x128xf32> -> vector<1280x128xf32>
    %add3A_35 = arith.addf %dot_general3A_26, %dot_general3A_34 : vector<1280x128xf32>
    %get3A_36 = arith.constant 0 : index
    %get3A_37 = arith.constant 0 : index
    %get3A_38 = vector.load %arg6[%get3A_36, %get3A_37] : memref<1x128xf32, #tpu.memory_space<vmem>>, vector<1x128xf32>
    %add3A_39 = vector.broadcast %get3A_38 : vector<1x128xf32> to vector<1280x128xf32>
    %add3A_40 = arith.addf %add3A_35, %add3A_39 : vector<1280x128xf32>
    %max3A_41 = arith.constant 0.000000e+00 : f32
    %max3A_42 = vector.broadcast %max3A_41 : f32 to vector<1280x128xf32>
    %max3A_43 = arith.maximumf %add3A_40, %max3A_42 : vector<1280x128xf32>
    %swap3A = arith.constant 0 : index
    %swap3A_44 = arith.constant 0 : index
    %swap3A_45 = vector.load %arg7[%swap3A, %swap3A_44] : memref<1280x128xf32, #tpu.memory_space<vmem>>, vector<1280x128xf32>
    tpu.vector_store %arg7[%swap3A, %swap3A_44], %max3A_43 {strides = array<i32>} : memref<1280x128xf32, #tpu.memory_space<vmem>>, vector<1280x128xf32>,
    return
  }
  func.func @transform_0(%arg0: i32) -> (i32, i32, i32) {
    %c0_i32 = arith.constant 0 : i32
    %c0_i32_0 = arith.constant 0 : i32
    %c0_i32_1 = arith.constant 0 : i32
    return %c0_i32, %arg0, %c0_i32_0 : i32, i32, i32
  }
  func.func @transform_1(%arg0: i32) -> (i32, i32) {
    %c0_i32 = arith.constant 0 : i32
    %c0_i32_0 = arith.constant 0 : i32
    return %c0_i32, %arg0 : i32, i32
  }
  func.func @transform_2(%arg0: i32) -> (i32, i32) {
    %c0_i32 = arith.constant 0 : i32
    %c0_i32_0 = arith.constant 0 : i32
    return %arg0, %c0_i32 : i32, i32
  }
  func.func @transform_3(%arg0: i32) -> (i32, i32) {
    %c0_i32 = arith.constant 0 : i32
    %c0_i32_0 = arith.constant 0 : i32
    %c0_i32_1 = arith.constant 0 : i32
    return %c0_i32, %c0_i32_0 : i32, i32
  }
  func.func @transform_4(%arg0: i32) -> (i32, i32) {
    %c0_i32 = arith.constant 0 : i32
    %c0_i32_0 = arith.constant 0 : i32
    %c0_i32_1 = arith.constant 0 : i32
    return %c0_i32, %c0_i32_0 : i32, i32
  }
  func.func @transform_5(%arg0: i32) -> (i32, i32) {
    %c0_i32 = arith.constant 0 : i32
    %c0_i32_0 = arith.constant 0 : i32
    %c0_i32_1 = arith.constant 0 : i32
    return %c0_i32, %c0_i32_0 : i32, i32
  }
  func.func @transform_6(%arg0: i32) -> (i32, i32) {
    %c0_i32 = arith.constant 0 : i32
    %c0_i32_0 = arith.constant 0 : i32
    return %arg0, %c0_i32 : i32, i32
  }
}

module attributes {stable_mosaic.version = 14 : i64} {
  func.func @_tc_body(%arg0: i32, %arg1: memref<2x1280x128xf32, #tpu.memory_space<vmem>>, %arg2: memref<2x1280xf32, #tpu.memory_space<vmem>>, %arg3: memref<1280x128xf32, #tpu.memory_space<vmem>>, %arg4: memref<128x128xf32, #tpu.memory_space<vmem>>, %arg5: memref<128x128xf32, #tpu.memory_space<vmem>>, %arg6: memref<1x128xf32, #tpu.memory_space<vmem>>, %arg7: memref<1280x128xf32, #tpu.memory_space<vmem>>) attributes {dimension_semantics = [#tpu.dimension_semantics<arbitrary>], iteration_bounds = array<i64: 8>, scalar_prefetch = 0 : i64, scratch_operands = 0 : i64, tpu.core_type = #tpu.core_type<tc>, window_params = [{transform_indices = @transform_0, window_bounds = array<i64: 2, 1280, 128>}, {transform_indices = @transform_1, window_bounds = array<i64: 2, 1280>}, {transform_indices = @transform_2, window_bounds = array<i64: 1280, 128>}, {pipeline_mode = #tpu.pipeline_mode<synchronous>, transform_indices = @transform_3, window_bounds = array<i64: 128, 128>}, {pipeline_mode = #tpu.pipeline_mode<synchronous>, transform_indices = @transform_4, window_bounds = array<i64: 128, 128>}, {pipeline_mode = #tpu.pipeline_mode<synchronous>, transform_indices = @transform_5, window_bounds = array<i64: 1, 128>}, {transform_indices = @transform_6, window_bounds = array<i64: 1280, 128>}]} {
    %get3A = arith.constant 0 : index
    %get3A_0 = arith.constant 0 : index
    %get3A_1 = arith.constant 0 : index
    %get3A_2 = vector.load %arg1[%get3A, %get3A_0, %get3A_1] : memref<2x1280x128xf32, #tpu.memory_space<vmem>>, vector<1x1280x128xf32>
    %get3A_3 = vector.shape_cast %get3A_2 : vector<1x1280x128xf32> to vector<1280x128xf32>
    %get3A_4 = arith.constant 1 : index
    %get3A_5 = arith.constant 0 : index
    %get3A_6 = arith.constant 0 : index
    %get3A_7 = vector.load %arg1[%get3A_4, %get3A_5, %get3A_6] : memref<2x1280x128xf32, #tpu.memory_space<vmem>>, vector<1x1280x128xf32>
    %get3A_8 = vector.shape_cast %get3A_7 : vector<1x1280x128xf32> to vector<1280x128xf32>
    %add3A = arith.addf %get3A_3, %get3A_8 : vector<1280x128xf32>
    %get3A_9 = arith.constant 0 : index
    %get3A_10 = arith.constant 0 : index
    %get3A_11 = vector.load %arg2[%get3A_9, %get3A_10] : memref<2x1280xf32, #tpu.memory_space<vmem>>, vector<1x1280xf32>
    %get3A_12 = vector.shape_cast %get3A_11 : vector<1x1280xf32> to vector<1280xf32>
    %get3A_13 = arith.constant 1 : index
    %get3A_14 = arith.constant 0 : index
    %get3A_15 = vector.load %arg2[%get3A_13, %get3A_14] : memref<2x1280xf32, #tpu.memory_space<vmem>>, vector<1x1280xf32>
    %get3A_16 = vector.shape_cast %get3A_15 : vector<1x1280xf32> to vector<1280xf32>
    %add3A_17 = arith.addf %get3A_12, %get3A_16 : vector<1280xf32>
    %max3A = arith.constant 1.000000e+00 : f32
    %max3A_18 = vector.broadcast %max3A : f32 to vector<1280xf32>
    %max3A_19 = arith.maximumf %add3A_17, %max3A_18 : vector<1280xf32>
    %div3A = arith.constant 1.000000e+00 : f32
    %div3A_20 = vector.broadcast %div3A : f32 to vector<1280xf32>
    %div3A_21 = arith.divf %div3A_20, %max3A_19 : vector<1280xf32>
    %broadcast_in_dim3A = vector.shape_cast %div3A_21 : vector<1280xf32> to vector<1280x1xf32>
    %mul3A = vector.broadcast %broadcast_in_dim3A : vector<1280x1xf32> to vector<1280x128xf32>
    %mul3A_22 = arith.mulf %add3A, %mul3A : vector<1280x128xf32>
    %get3A_23 = arith.constant 0 : index
    %get3A_24 = arith.constant 0 : index
    %get3A_25 = vector.load %arg4[%get3A_23, %get3A_24] : memref<128x128xf32, #tpu.memory_space<vmem>>, vector<128x128xf32>
    %dot_general3A = arith.constant dense<0.000000e+00> : vector<1280x128xf32>
    %dot_general3A_26 = tpu.matmul %mul3A_22, %get3A_25, %dot_general3A {dimension_numbers = #tpu.dot_dimension_numbers<[1], [0], [0], [1], [0, 0, 1, 1], [], []>, transpose_lhs_hint = false} : vector<1280x128xf32>, vector<128x128xf32>, vector<1280x128xf32> -> vector<1280x128xf32>
    %get3A_27 = arith.constant 0 : index
    %get3A_28 = arith.constant 0 : index
    %get3A_29 = vector.load %arg3[%get3A_27, %get3A_28] : memref<1280x128xf32, #tpu.memory_space<vmem>>, vector<1280x128xf32>
    %get3A_30 = arith.constant 0 : index
    %get3A_31 = arith.constant 0 : index
    %get3A_32 = vector.load %arg5[%get3A_30, %get3A_31] : memref<128x128xf32, #tpu.memory_space<vmem>>, vector<128x128xf32>
    %dot_general3A_33 = arith.constant dense<0.000000e+00> : vector<1280x128xf32>
    %dot_general3A_34 = tpu.matmul %get3A_29, %get3A_32, %dot_general3A_33 {dimension_numbers = #tpu.dot_dimension_numbers<[1], [0], [0], [1], [0, 0, 1, 1], [], []>, transpose_lhs_hint = false} : vector<1280x128xf32>, vector<128x128xf32>, vector<1280x128xf32> -> vector<1280x128xf32>
    %add3A_35 = arith.addf %dot_general3A_26, %dot_general3A_34 : vector<1280x128xf32>
    %get3A_36 = arith.constant 0 : index
    %get3A_37 = arith.constant 0 : index
    %get3A_38 = vector.load %arg6[%get3A_36, %get3A_37] : memref<1x128xf32, #tpu.memory_space<vmem>>, vector<1x128xf32>
    %add3A_39 = vector.broadcast %get3A_38 : vector<1x128xf32> to vector<1280x128xf32>
    %add3A_40 = arith.addf %add3A_35, %add3A_39 : vector<1280x128xf32>
    %max3A_41 = arith.constant 0.000000e+00 : f32
    %max3A_42 = vector.broadcast %max3A_41 : f32 to vector<1280x128xf32>
    %max3A_43 = arith.maximumf %add3A_40, %max3A_42 : vector<1280x128xf32>
    %swap3A = arith.constant 0 : index
    %swap3A_44 = arith.constant 0 : index
    %swap3A_45 = vector.load %arg7[%swap3A, %swap3A_44] : memref<1280x128xf32, #tpu.memory_space<vmem>>, vector<1280x128xf32>
    tpu.vector_store %arg7[%swap3A, %swap3A_44], %max3A_43 {strides = array<i32>} : memref<1280x128xf32, #tpu.memory_space<vmem>>, vector<1280x128xf32>,
    return
  }
  func.func @transform_0(%arg0: i32) -> (i32, i32, i32) {
    %c0_i32 = arith.constant 0 : i32
    %c0_i32_0 = arith.constant 0 : i32
    %c0_i32_1 = arith.constant 0 : i32
    return %c0_i32, %arg0, %c0_i32_0 : i32, i32, i32
  }
  func.func @transform_1(%arg0: i32) -> (i32, i32) {
    %c0_i32 = arith.constant 0 : i32
    %c0_i32_0 = arith.constant 0 : i32
    return %c0_i32, %arg0 : i32, i32
  }
  func.func @transform_2(%arg0: i32) -> (i32, i32) {
    %c0_i32 = arith.constant 0 : i32
    %c0_i32_0 = arith.constant 0 : i32
    return %arg0, %c0_i32 : i32, i32
  }
  func.func @transform_3(%arg0: i32) -> (i32, i32) {
    %c0_i32 = arith.constant 0 : i32
    %c0_i32_0 = arith.constant 0 : i32
    %c0_i32_1 = arith.constant 0 : i32
    return %c0_i32, %c0_i32_0 : i32, i32
  }
  func.func @transform_4(%arg0: i32) -> (i32, i32) {
    %c0_i32 = arith.constant 0 : i32
    %c0_i32_0 = arith.constant 0 : i32
    %c0_i32_1 = arith.constant 0 : i32
    return %c0_i32, %c0_i32_0 : i32, i32
  }
  func.func @transform_5(%arg0: i32) -> (i32, i32) {
    %c0_i32 = arith.constant 0 : i32
    %c0_i32_0 = arith.constant 0 : i32
    %c0_i32_1 = arith.constant 0 : i32
    return %c0_i32, %c0_i32_0 : i32, i32
  }
  func.func @transform_6(%arg0: i32) -> (i32, i32) {
    %c0_i32 = arith.constant 0 : i32
    %c0_i32_0 = arith.constant 0 : i32
    return %arg0, %c0_i32 : i32, i32
  }
}

</mosaic_0001>

<sc_bundles>
// kernel: kernel.6.cloned.1.call-start
scs
__scs_entry_jumppad:
0x0: {  	(pc) =	sbr.rel $0x88, $3  }
0x1: {  	(tag) =	ssettag $0x0;
	lr =	simm.s32 $0x1  }
0x2: {  	[smem:$0x3F97] =	sst lr;
	_ =	strace $0xD0000000  }
0x3: {  	_ = 	snop  }
0x4: {  	_ = 	snop  }
0x5: {  	_ = 	snop  }
0x6: {  	_ = 	snop  }
0x7: {  	_ = 	snop  }
__scs_overlays_trampoline_lowered:
0x8: {  	[smem:$0x3FA6] =	sst s0  }
0x9: {  	[smem:$0x3FA7] =	sst s1  }
0xa: {  	[smem:$0x3FA8] =	sst s2  }
0xb: {  	[smem:$0x3FA9] =	sst s3  }
0xc: {  	[smem:$0x3FAA] =	sst s4  }
0xd: {  	[smem:$0x3FAB] =	sst s5  }
0xe: {  	[smem:$0x3FAC] =	sst s6  }
0xf: {  	[smem:$0x3FAD] =	sst s7  }
0x10: {  	[smem:$0x3FAE] =	sst s8  }
0x11: {  	[smem:$0x3FAF] =	sst s9;
	s0 =	simm.s32 @!p0 $0x0  }
0x12: {  	s1 =	sld [smem:$0x3F95];
	s0 =	simm.s32 @p0 $0x1  }
0x13: {  	[smem:$0x3FB0] =	sst s0;
	s0 =	simm.s32 @!p1 $0x0  }
0x14: {  	s2 =	sld [smem:$0x3F94];
	s0 =	simm.s32 @p1 $0x1  }
0x15: {  	[smem:$0x3FB1] =	sst s0;
	s0 =	simm.s32 @!p2 $0x0  }
0x16: {  	s3 =	sld [smem:$0x3FDB];
	s0 =	simm.s32 @p2 $0x1  }
0x17: {  	s4 =	simm.s32 $0x1BF5;
	[smem:$0x3FB3] =	sst s0  }
0x18: {  	s0 =	sld [smem:$0x3F96];
	_ =	swait.ge [sflag:s4], $0x0  }
0x19: {  	s7 =	sld [smem:$0x3F97]  }
0x1a: {  	s8 =	sadd.s32 $0xFFFFE003, lr  }
0x1b: {  	s9 =	sadd.s32 $0xFFFFFEF7, lr;
	s5 =	simm.s32 $0xFFFFFFFF;
	p2 =	slt.u32 s8, $0xFFFFF086  }
0x1c: {  	p1 =	slt.u32 s9, $0xF7A;
	s5 =	simm.s32 @!p2 $0x0  }
0x1d: {  	s5 =	simm.s32 @p1 $0x1;
	p0 =	seq.s32 s7, s2  }
0x1e: {  	s7 =	smul.u32 @!p0 $0xF7A, s2;
	p2 =	seq.s32 @!p0 s5, $0x0  }
0x1f: {  	s9 =	smul.u32 $0xF7A, s1;
	s8 =	simm.s32 @!p0 $0x1BF5;
	p2 =	por !p2, p0  }
0x20: {  	[sflag:s8] =	ssyncset.s32 @!p0 $0xFFFFF086;
	s6 =	sadd.s32 @!p0 s3, s7;
	s7 =	simm.s32 @!p0 $0x108  }
0x21: {  	s3 =	sadd.s32 s3, s9;
	s6 =	sadd.s32 @!p0 $0x88, s6;
	s7 =	simm.s32 @p2 $0x1082  }
0x22: {  	[simem:s7], [sflag:s8] =	dma.local @!p0 [hbm:s6], $0xF7A  }
0x23: {  	s9 =	sor.u32 $0xD0000000, s2;
	s6 =	simm.s32 $0x108;
	_ =	swait.ge @!p0 [sflag:s8], $0x0  }
0x24: {  	s3 =	sadd.s32 $0x88, s3;
	s6 =	simm.s32 @!p1 $0x1082;
	[sflag:s4] =	ssyncset.s32 $0xFFFFF086  }
0x25: {  	[simem:s6], [sflag:s4] =	dma.local [hbm:s3], $0xF7A  }
0x26: {  	[smem:$0x3F97] =	sst s1;
	(tag) =	ssettag s2;
	_ =	strace s9  }
0x27: {  	s1 =	sld [smem:$0x3FA7]  }
0x28: {  	s2 =	sld [smem:$0x3FA8]  }
0x29: {  	s4 =	sld [smem:$0x3FAA]  }
0x2a: {  	p0 =	seq.s32 s5, $0x0;
	s5 =	sld [smem:$0x3FAB]  }
0x2b: {  	s6 =	sld [smem:$0x3FAC]  }
0x2c: {  	s7 =	sld [smem:$0x3FAD]  }
0x2d: {  	s3 =	simm.s32 $0x108;
	s8 =	sld [smem:$0x3FAE]  }
0x2e: {  	s3 =	simm.s32 @!p0 $0x1082;
	s9 =	sld [smem:$0x3FAF]  }
0x2f: {  	lr =	sadd.s32 s0, s3;
	s0 =	sld [smem:$0x3FA6]  }
0x30: {  	s3 =	sld [smem:$0x3FA9]  }
0x31: {  	[smem:$0x3FB2] =	sst s10  }
0x32: {  	s10 =	sld [smem:$0x3FB0];
	_ =	sdelay $0x3  }
0x33: {  	p0 =	seq.s32 s10, $0x1;
	s10 =	sld [smem:$0x3FB2];
	_ =	sdelay $0x3  }
0x34: {  	[smem:$0x3FB2] =	sst s10  }
0x35: {  	s10 =	sld [smem:$0x3FB1];
	_ =	sdelay $0x3  }
0x36: {  	p1 =	seq.s32 s10, $0x1;
	s10 =	sld [smem:$0x3FB2];
	_ =	sdelay $0x3  }
0x37: {  	[smem:$0x3FB2] =	sst s10  }
0x38: {  	s10 =	sld [smem:$0x3FB3]  }
0x39: {  	_ = 	snop;
	(pc) =	sbr.ind lr, $3  }
0x3a: {  	_ = 	snop  }
0x3b: {  	_ = 	snop  }
0x3c: {  	p2 =	seq.s32 s10, $0x1;
	s10 =	sld [smem:$0x3FB2]  }
0x3d: {  	_ =	shalt  }
0x3e: {  	_ =	shalt  }
0x3f: {  	_ =	shalt  }
0x40: {  	_ =	shalt  }
0x41: {  	_ =	shalt  }
0x42: {  	_ =	shalt  }
0x43: {  	_ =	shalt  }
0x44: {  	_ =	shalt  }
0x45: {  	_ =	shalt  }
0x46: {  	_ =	shalt  }
0x47: {  	_ =	shalt  }
0x48: {  	_ =	shalt  }
0x49: {  	_ =	shalt  }
0x4a: {  	_ =	shalt  }
0x4b: {  	_ =	shalt  }
0x4c: {  	_ =	shalt  }
0x4d: {  	_ =	shalt  }
0x4e: {  	_ =	shalt  }
0x4f: {  	_ =	shalt  }
0x50: {  	_ =	shalt  }
0x51: {  	_ =	shalt  }
0x52: {  	_ =	shalt  }
0x53: {  	_ =	shalt  }
0x54: {  	_ =	shalt  }
0x55: {  	_ =	shalt  }
0x56: {  	_ =	shalt  }
0x57: {  	_ =	shalt  }
0x58: {  	_ =	shalt  }
0x59: {  	_ =	shalt  }
0x5a: {  	_ =	shalt  }
0x5b: {  	_ =	shalt  }
0x5c: {  	_ =	shalt  }
0x5d: {  	_ =	shalt  }
0x5e: {  	_ =	shalt  }
0x5f: {  	_ =	shalt  }
0x60: {  	_ =	shalt  }
0x61: {  	_ =	shalt  }
0x62: {  	_ =	shalt  }
0x63: {  	_ =	shalt  }
0x64: {  	_ =	shalt  }
0x65: {  	_ =	shalt  }
0x66: {  	_ =	shalt  }
0x67: {  	_ =	shalt  }
0x68: {  	_ =	shalt  }
0x69: {  	_ =	shalt  }
0x6a: {  	_ =	shalt  }
0x6b: {  	_ =	shalt  }
0x6c: {  	_ =	shalt  }
0x6d: {  	_ =	shalt  }
0x6e: {  	_ =	shalt  }
0x6f: {  	_ =	shalt  }
0x70: {  	_ =	shalt  }
0x71: {  	_ =	shalt  }
0x72: {  	_ =	shalt  }
0x73: {  	_ =	shalt  }
0x74: {  	_ =	shalt  }
0x75: {  	_ =	shalt  }
0x76: {  	_ =	shalt  }
0x77: {  	_ =	shalt  }
0x78: {  	_ =	shalt  }
0x79: {  	_ =	shalt  }
0x7a: {  	_ =	shalt  }
0x7b: {  	_ =	shalt  }
0x7c: {  	_ =	shalt  }
0x7d: {  	_ =	shalt  }
0x7e: {  	_ =	shalt  }
0x7f: {  	_ =	shalt  }
0x80: {  	_ =	shalt  }
0x81: {  	_ =	shalt  }
0x82: {  	_ =	shalt  }
0x83: {  	_ =	shalt  }
0x84: {  	_ =	shalt  }
0x85: {  	_ =	shalt  }
0x86: {  	_ =	shalt  }
0x87: {  	_ =	shalt  }
.Lfunc_end0:
.L_simem_size_0:
called_computation_lowered:
.L_overlay_start_0:
0x88: {  	s2 =	sld [smem:$0x3FD9]  }
0x89: {  	s3 =	sld [smem:$0x3FFE];
	_ =	sdelay $0x1  }
0x8a: {  	s1 =	srdreg.scid  }
0x8b: {  	s0 =	sand.u32 $0x1, s1  }
0x8c: {  	s17 =	sshll.u32 s0, $0xA;
	s2 =	sadd.s32 s3, s2  }
0x8d: {  	s2 =	sadd.s32 s2, s17  }
0x8e: {  	[smem:$0x3FBE] =	sst s2  }
0x8f: {  	_ = 	snop  }
0x90: {  	s2 =	sld [smem:$0x3FC9]  }
0x91: {  	s18 =	sld [smem:$0x3FD0];
	(tm) =	ssettm $0x1  }
0x92: {  	s4 =	sld [smem:$0x3FFB];
	_ =	sdelay $0x3  }
0x93: {  	_ =	strace s4  }
0x94: {  	s4 =	sld [smem:$0x3FFC];
	_ =	sdelay $0x3  }
0x95: {  	_ =	strace s4  }
0x96: {  	s4 =	sld [smem:$0x3FFD];
	_ =	sdelay $0x3  }
0x97: {  	_ =	strace s4  }
0x98: {  	_ =	strace $0x8FFFFFFF  }
0x99: {  	s19 =	sld [smem:$0x3FDB];
	_ =	sdelay $0x1  }
0x9a: {  	s5 =	simm.s32 $_scs_section_size  }
0x9b: {  	s6 =	simm.s32 $_size__tile_overlayer_lowered;
	s7 =	simm.s32 $_tile_overlayer_lowered  }
0x9c: {  	s22 =	simm.s32 $0x1BFF;
	s21 =	sshll.u32 s7, $0x1;
	s4 =	sadd.s32 s5, s19  }
0x9d: {  	s8 =	simm.s32 $0x0;
	s20 =	sshll.u32 s6, $0x1;
	s6 =	sadd.s32 s21, s4  }
0x9e: {  	[timem:s8], [sflag:s22] =	dma.local [hbm:s6], s20  }
0x9f: {  	_ =	swait.ge [sflag:s22], s20  }
0xa0: {  	s5 =	ssub.s32 $0x0, s20;
	[sflag:s22] =	ssyncset.done $0x0  }
0xa1: {  	[sflag:s22] =	ssyncadd.s32 s5;
	_ =	sdelay $0x1  }
0xa2: {  	s23 =	simm.s32 $0x1B8B  }
0xa3: {  	_ =	swait.ge [sflag:s23], $0x1  }
0xa4: {  	[sflag:s23] =	ssyncset.done $0x0  }
0xa5: {  	s25 =	simm.s32 $0x1B8E;
	s24 =	sld [smem:$0x3FFE];
	[sflag:s23] =	ssyncadd.s32 $0xFFFFFFFF  }
0xa6: {  	s26 =	simm.s32 $execute0_lowered;
	[smem:$0x3FD2] =	sst s25  }
0xa7: {  	s6 =	sshll.u32 s26, $0x1;
	_ =	strace $0x80000046;
	[dreg:$0x1] =	wrdreg $0xFFFFFFFF  }
0xa8: {  	s28 =	simm.s32 $_size_execute0_lowered;
	s4 =	sadd.s32 s4, s6;
	[dreg:$0x0] =	wrdreg $0x0  }
0xa9: {  	s6 =	sshll.u32 s28, $0x1;
	[dreg:$0x2] =	wrdreg s4  }
0xaa: {  	[dreg:$0x3] =	wrdreg s6  }
0xab: {  	[dreg:$0x4] =	wrdreg $0xC0  }
0xac: {  	_ =	task [dreg:s8], $0x5FFFF  }
0xad: {  	[dreg:$0x1] =	wrdreg $0xFFFFFFFF  }
0xae: {  	[dreg:$0x0] =	wrdreg $0x60  }
0xaf: {  	[dreg:$0x2] =	wrdreg s2  }
0xb0: {  	[dreg:$0x3] =	wrdreg s18  }
0xb1: {  	[dreg:$0x4] =	wrdreg s24  }
0xb2: {  	[dreg:$0x5] =	wrdreg $0xAB000  }
0xb3: {  	[dreg:$0x6] =	wrdreg $0x1EB000  }
0xb4: {  	[dreg:$0x7] =	wrdreg $0x9  }
0xb5: {  	_ =	task.clear_ibuf [dreg:s8], $0x8FFFF;
	_ =	strace $0x90000046  }
0xb6: {  	s29 =	simm.s32 $0x9;
	_ =	strace $0x80000048  }
0xb7: {  	_ =	swait.ge [sflag:s29], $0x1  }
0xb8: {  	[sflag:s29] =	ssyncadd.s32 $0xFFFFFFFF  }
0xb9: {  	_ =	strace $0x90000048  }
0xba: {  	_ =	sfence  }
0xbb: {  	s30 =	sld [smem:$0x0];
	_ =	sdelay $0x2  }
0xbc: {  	s31 =	sshll.u32 s1, $0xD;
	s1 =	sshrl.u32 s1, $0x2  }
0xbd: {  	s3 =	sand.u32 $0x4000, s31;
	s1 =	sadd.s32 s1, s30  }
0xbe: {  	s0 =	sor.u32 s3, s0;
	s1 =	sshll.u32 s1, $0x11  }
0xbf: {  	s0 =	sor.u32 s1, s0  }
0xc0: {  	s0 =	sadd.s32 $0x8F2B, s0  }
0xc1: {  	[sflag:s0] =	ssyncadd.remote.s32 $0x1  }
0xc2: {  	_ =	sfence.sel $0xFFFF  }
0xc3: {  	[dreg:$0x0] =	wrdreg $0xFFFFFFFF;
	(pc) =	sbr.abs _section_cstart, $3  }
0xc4: {  	[dreg:$0x1] =	wrdreg $0xFFFFFFFF  }
0xc5: {  	_ =	task.clear_ibuf [dreg:s8], $0x2FFFF;
	_ =	strace $0x9FFFFFFF  }
0xc6: {  	(tm) =	ssettm $0x7FFFFFFF  }
0xc7: {  	_ =	shalt  }
tec
execute0_lowered:
.L_overlay_start_1:
0x0: {  	(tag) =	ssettag $0x1  }
0x1: {  	s0 =	rddreg [dreg:$0x0]  }
0x2: {  	s1 =	rddreg [dreg:$0x1]  }
0x3: {  	s2 =	rddreg [dreg:$0x2]  }
0x4: {  	s4 =	srdreg.scid;
	s3 =	rddreg [dreg:$0x3]  }
0x5: {  	s11 =	stileid.u32;
	s5 =	simm.s32 $0x0;
	s28 =	simm.s32 $0x3  }
0x6: {  	s29 =	simm.s32 $0x2;
	s30 =	simm.s32 $0x1380;
	s8 =	smul.u32 $0x14000, s11  }
0x7: {  	s6 =	sand.u32 $0x1, s4;
	s4 =	rddreg [dreg:$0x4];
	s18 =	smul.u32 $0x500, s11  }
0x8: {  	s31 =	simm.s32 $0x2700;
	[smem:$0x7FF] =	sst s5;
	s21 =	smul.u32 $0x50000, s11  }
0x9: {  	s15 =	sadd.s32 $0x2800, s2;
	s7 =	smul.u32 $0x140000, s6;
	_ =	strace $0x80000047  }
0xa: {  	s9 =	sshll.u32 s6, $0x7;
	s20 =	ssub.s32 $0x2, s6;
	s6 =	sshll.u32 s6, $0x4  }
0xb: {  	s19 =	sor.u32 s9, s18;
	s22 =	sshrl.u32 s20, $0x1;
	s10 =	sor.u32 s11, s6  }
0xc: {  	s23 =	sshrl.u32 s21, $0x2;
	s11 =	smul.u32 $0xA00, s11;
	s7 =	sadd.s32 s8, s7  }
0xd: {  	s18 =	ssub.s32 s20, s22;
	s6 =	sadd.s32 s23, s3;
	s12 =	smul.u32 $0x2800, s10  }
0xe: {  	s20 =	simm.s32 $0x4;
	s22 =	simm.s32 $0x1400;
	s23 =	simm.s32 $0x80  }
0xf: {  	s7 =	sshrl.u32 s7, $0x3;
	s24 =	sadd.s32 $0x4000, s6;
	s25 =	sadd.s32 $0x8000, s6  }
0x10: {  	s26 =	sadd.s32 $0xC000, s6;
	s10 =	sadd.s32 $0x10000, s6;
	[dreg:$0x6] =	wrdreg s24  }
0x11: {  	s11 =	sshrl.u32 s11, $0x2;
	s18 =	smax.u32 s18, $0x1;
	[dreg:$0x7] =	wrdreg s25  }
0x12: {  	s16 =	sadd.s32 s7, s2;
	s7 =	sshrl.u32 s19, $0x3;
	[dreg:$0x8] =	wrdreg s26  }
0x13: {  	s13 =	sshrl.u32 s12, $0x3;
	s11 =	sadd.s32 s11, s4;
	s19 =	simm.s32 $0x2800  }
0x14: {  	s24 =	simm.s32 $0x6800;
	s25 =	simm.s32 $0x1;
	s26 =	simm.s32 $0xAA80  }
0x15: {  	s2 =	sadd.s32 s7, s2;
	s12 =	sadd.s32 s1, s13;
	s17 =	sadd.s32 $0x280, s13  }
0x16: {  	s13 =	sadd.s32 s15, s13;
	s16 =	sadd.s32 $0xC800, s16;
	s14 =	sadd.s32 s1, s17  }
0x17: {  	v0 =	vimm.f32 $0.0e+00;
	v1 =	vimm.f32 $1.000000000e+00;
	s15 =	sadd.s32 s15, s17;
	s17 =	sadd.s32 $0x5C800, s2;
	s2 =	simm.s32 $0x2780  }
.LBB2_1:
0x18: {  	s21 =	simm.s32 $0x0;
	s1 =	simm.s32 $0x200  }
.LBB2_2:
0x19: {  	p0 =	sne.s32 s1, $0xFE00;
	[tilespmem:s21+$0x2870] =	vst v0  }
0x1a: {  	[tilespmem:s21+$0x2800] =	vst v0  }
0x1b: {  	[tilespmem:s21+$0x2810] =	vst v0  }
.Ltmp0:
0x1c: {  	[tilespmem:s21+$0x2820] =	vst v0;
	(pc) =	sbr.rel @p0 .LBB2_2-.Ltmp0, $4  }
0x1d: {  	[tilespmem:s21+$0x2830] =	vst v0  }
0x1e: {  	[tilespmem:s21+$0x2840] =	vst v0  }
0x1f: {  	[tilespmem:s21+$0x2850] =	vst v0  }
0x20: {  	[tilespmem:s21+$0x2860] =	vst v0;
	s21 =	sshra.s32 s1, $0x2;
	s1 =	sadd.s32 $0x200, s1  }
0x21: {  	[tilespmem:s21+$0x2870] =	vst v0  }
0x22: {  	[tilespmem:s21+$0x2800] =	vst v0  }
0x23: {  	[tilespmem:s21+$0x2810] =	vst v0  }
0x24: {  	[tilespmem:s21+$0x2820] =	vst v0  }
0x25: {  	[tilespmem:s21+$0x2830] =	vst v0  }
0x26: {  	[tilespmem:s21+$0x2840] =	vst v0  }
0x27: {  	[tilespmem:s21+$0x2850] =	vst v0  }
0x28: {  	[tilespmem:s21+$0x2860] =	vst v0  }
0x29: {  	[spmem:s6] =	stream.linear.scatter [tilespmem:s19], [sflag:$0x4], $0x4000, $0x38;
	[tilespmem:$0x1ED80] =	vst v63  }
0x2a: {  	_ =	swait.ge [sflag:s20], $0x4000  }
0x2b: {  	[sflag:s20] =	ssyncset.done $0x0  }
0x2c: {  	s1 =	rddreg [dreg:$0x6];
	[sflag:s20] =	ssyncadd.s32 $0xFFFFC000  }
0x2d: {  	[spmem:s1] =	stream.linear.scatter [tilespmem:s19], [sflag:$0x4], $0x4000, $0x38;
	[tilespmem:$0x1ED80] =	vst v63  }
0x2e: {  	_ =	swait.ge [sflag:s20], $0x4000  }
0x2f: {  	[sflag:s20] =	ssyncset.done $0x0  }
0x30: {  	s7 =	rddreg [dreg:$0x7];
	[sflag:s20] =	ssyncadd.s32 $0xFFFFC000  }
0x31: {  	[spmem:s7] =	stream.linear.scatter [tilespmem:s19], [sflag:$0x4], $0x4000, $0x38;
	[tilespmem:$0x1ED80] =	vst v63  }
0x32: {  	_ =	swait.ge [sflag:s20], $0x4000  }
0x33: {  	[sflag:s20] =	ssyncset.done $0x0  }
0x34: {  	s8 =	rddreg [dreg:$0x8];
	[sflag:s20] =	ssyncadd.s32 $0xFFFFC000  }
0x35: {  	[spmem:s8] =	stream.linear.scatter [tilespmem:s19], [sflag:$0x4], $0x4000, $0x38;
	[tilespmem:$0x1ED80] =	vst v63  }
0x36: {  	_ =	swait.ge [sflag:s20], $0x4000  }
0x37: {  	[sflag:s20] =	ssyncset.done $0x0  }
0x38: {  	[sflag:s20] =	ssyncadd.s32 $0xFFFFC000  }
0x39: {  	[spmem:s10] =	stream.linear.scatter [tilespmem:s19], [sflag:$0x4], $0x4000, $0x38;
	[tilespmem:$0x1ED80] =	vst v63  }
0x3a: {  	_ =	swait.ge [sflag:s20], $0x4000  }
0x3b: {  	[sflag:s20] =	ssyncset.done $0x0  }
0x3c: {  	[sflag:s20] =	ssyncadd.s32 $0xFFFFC000  }
0x3d: {  	[tilespmem:$0xA800] =	vst v0  }
0x3e: {  	[tilespmem:$0xA810] =	vst v0  }
0x3f: {  	[tilespmem:$0xA820] =	vst v0  }
0x40: {  	[tilespmem:$0xA830] =	vst v0  }
0x41: {  	[tilespmem:$0xA840] =	vst v0  }
0x42: {  	[tilespmem:$0xA850] =	vst v0  }
0x43: {  	[tilespmem:$0xA860] =	vst v0  }
0x44: {  	[tilespmem:$0xA870] =	vst v0  }
0x45: {  	[tilespmem:$0xA880] =	vst v0  }
0x46: {  	[tilespmem:$0xA890] =	vst v0  }
0x47: {  	[tilespmem:$0xA8A0] =	vst v0  }
0x48: {  	[tilespmem:$0xA8B0] =	vst v0  }
0x49: {  	[tilespmem:$0xA8C0] =	vst v0  }
0x4a: {  	[tilespmem:$0xA8D0] =	vst v0  }
0x4b: {  	[tilespmem:$0xA8E0] =	vst v0  }
0x4c: {  	[tilespmem:$0xA8F0] =	vst v0  }
0x4d: {  	[tilespmem:$0xA900] =	vst v0  }
0x4e: {  	[tilespmem:$0xA910] =	vst v0  }
0x4f: {  	[tilespmem:$0xA920] =	vst v0  }
0x50: {  	[tilespmem:$0xA930] =	vst v0  }
0x51: {  	[tilespmem:$0xA940] =	vst v0  }
0x52: {  	[tilespmem:$0xA950] =	vst v0  }
0x53: {  	[tilespmem:$0xA960] =	vst v0  }
0x54: {  	[tilespmem:$0xA970] =	vst v0  }
0x55: {  	[tilespmem:$0xA980] =	vst v0  }
0x56: {  	[tilespmem:$0xA990] =	vst v0  }
0x57: {  	[tilespmem:$0xA9A0] =	vst v0  }
0x58: {  	[tilespmem:$0xA9B0] =	vst v0  }
0x59: {  	[tilespmem:$0xA9C0] =	vst v0  }
0x5a: {  	[tilespmem:$0xA9D0] =	vst v0  }
0x5b: {  	[tilespmem:$0xA9E0] =	vst v0  }
0x5c: {  	[tilespmem:$0xA9F0] =	vst v0  }
0x5d: {  	[tilespmem:$0xAA00] =	vst v0  }
0x5e: {  	[tilespmem:$0xAA10] =	vst v0  }
0x5f: {  	[tilespmem:$0xAA20] =	vst v0  }
0x60: {  	[tilespmem:$0xAA30] =	vst v0  }
0x61: {  	[tilespmem:$0xAA40] =	vst v0  }
0x62: {  	[tilespmem:$0xAA50] =	vst v0  }
0x63: {  	[tilespmem:$0xAA60] =	vst v0  }
0x64: {  	s9 =	simm.s32 $0xA800;
	[tilespmem:$0xAA70] =	vst v0  }
0x65: {  	[spmem:s11] =	stream.linear.scatter [tilespmem:s9], [sflag:$0x4], $0x280, $0x38;
	[tilespmem:$0x1ED80] =	vst v63  }
0x66: {  	_ =	swait.ge [sflag:s20], $0x280  }
0x67: {  	[sflag:s20] =	ssyncset.done $0x0  }
0x68: {  	[sflag:s20] =	ssyncadd.s32 $0xFFFFFD80  }
0x69: {  	[tilespmem:$0xAA80] =	vst v1  }
0x6a: {  	[tilespmem:$0xAA90] =	vst v1  }
0x6b: {  	[tilespmem:$0xAAA0] =	vst v1  }
0x6c: {  	[tilespmem:$0xAAB0] =	vst v1  }
0x6d: {  	[tilespmem:$0xAAC0] =	vst v1  }
0x6e: {  	[tilespmem:$0xAAD0] =	vst v1  }
0x6f: {  	[tilespmem:$0xAAE0] =	vst v1  }
0x70: {  	s21 =	simm.s32 $0x0;
	[tilespmem:$0xAAF0] =	vst v1  }
0x71: {  	[tilespmem:s21], [sflag:$0x4] =	stream.linear.gather [hbm4b:s12+s21], $0x1400, $0x38;
	[tilespmem:$0x1ED80] =	vst v63  }
0x72: {  	_ =	swait.ge [sflag:s20], $0x1400  }
0x73: {  	[sflag:s20] =	ssyncset.done $0x0  }
0x74: {  	[sflag:s20] =	ssyncadd.s32 $0xFFFFEC00  }
0x75: {  	[tilespmem:s22], [sflag:$0x4] =	stream.linear.gather [hbm4b:s13+s21], $0x1400, $0x38;
	[tilespmem:$0x1ED80] =	vst v63  }
0x76: {  	_ =	swait.ge [sflag:s20], $0x1400  }
0x77: {  	[sflag:s20] =	ssyncset.done $0x0  }
0x78: {  	[sflag:s20] =	ssyncadd.s32 $0xFFFFEC00  }
0x79: {  	[tilespmem:s19], [sflag:$0x1] =	stream.indirect.gather [hbm4b:s0+s23], $0x80, s21, s23, $0xb8;
	[tilespmem:$0x1ED80] =	vst v63  }
0x7a: {  	s7 =	simm.s32 $0x80;
	[bflag:$0x0] =	sbarrier.arrive $0xFFFF  }
0x7b: {  	[tilespmem:s24], [sflag:$0x2] =	stream.indirect.gather [hbm4b:s0+s23], $0x80, s7, s23, $0xb8;
	[tilespmem:$0x1ED80] =	vst v63  }
0x7c: {  	_ =	swait.ge [sflag:s25], $0x4000  }
0x7d: {  	[sflag:s25] =	ssyncset.done $0x0  }
0x7e: {  	s8 =	simm.s32 $0x1400;
	[sflag:s25] =	ssyncadd.s32 $0xFFFFC000  }
0x7f: {  	[spmem:s4] =	stream.indirect.scatter.add.f32 [tilespmem:s26], [sflag:$0x3], $0x1, s8, s23, $0xb8;
	[tilespmem:$0x1ED80] =	vst v63  }
0x80: {  	_ = 	snop  }
0x81: {  	[spmem:s3] =	stream.indirect.scatter.add.f32 [tilespmem:s19], [sflag:$0x4], $0x80, s8, s23, $0xb8;
	[tilespmem:$0x1ED80] =	vst v63  }
0x82: {  	_ =	swait.ge [sflag:s20], $0x4000  }
0x83: {  	[sflag:s20] =	ssyncset.done $0x0  }
0x84: {  	[sflag:s20] =	ssyncadd.s32 $0xFFFFC000  }
0x85: {  	_ =	swait.ge [sflag:s28], $0x80  }
0x86: {  	[sflag:s28] =	ssyncset.done $0x0  }
0x87: {  	s9 =	simm.s32 $0x100;
	[sflag:s28] =	ssyncadd.s32 $0xFFFFFF80  }
0x88: {  	[tilespmem:s19], [sflag:$0x1] =	stream.indirect.gather [hbm4b:s0+s23], $0x80, s9, s23, $0xb8;
	[tilespmem:$0x1ED80] =	vst v63  }
0x89: {  	_ =	swait.ge [sflag:s29], $0x4000  }
0x8a: {  	[sflag:s29] =	ssyncset.done $0x0  }
0x8b: {  	s21 =	simm.s32 $0x1480;
	[sflag:s29] =	ssyncadd.s32 $0xFFFFC000  }
0x8c: {  	[spmem:s4] =	stream.indirect.scatter.add.f32 [tilespmem:s26], [sflag:$0x3], $0x1, s21, s23, $0xb8;
	[tilespmem:$0x1ED80] =	vst v63  }
0x8d: {  	_ = 	snop  }
0x8e: {  	[spmem:s3] =	stream.indirect.scatter.add.f32 [tilespmem:s24], [sflag:$0x4], $0x80, s21, s23, $0xb8;
	[tilespmem:$0x1ED80] =	vst v63  }
0x8f: {  	_ =	swait.ge [sflag:s20], $0x4000  }
0x90: {  	[sflag:s20] =	ssyncset.done $0x0  }
0x91: {  	[sflag:s20] =	ssyncadd.s32 $0xFFFFC000  }
0x92: {  	_ =	swait.ge [sflag:s28], $0x80  }
0x93: {  	s1 =	simm.s32 $0x800;
	s21 =	simm.s32 $0x100;
	[sflag:s28] =	ssyncset.done $0x0  }
.LBB2_4:
0x94: {  	s7 =	sadd.s32 $0x80, s21  }
0x95: {  	[sflag:s28] =	ssyncadd.s32 $0xFFFFFF80;
	s8 =	smov.u32 s1;
	s9 =	sadd.s32 $0x400, s1  }
0x96: {  	[tilespmem:s24], [sflag:$0x2] =	stream.indirect.gather [hbm4b:s0+s23], $0x80, s7, s23, $0xb8;
	[tilespmem:$0x1ED80] =	vst v63  }
0x97: {  	p0 =	sne.s32 s1, $0x4800;
	_ =	swait.ge [sflag:s25], $0x4000  }
0x98: {  	[sflag:s25] =	ssyncset.done $0x0  }
0x99: {  	s1 =	sadd.s32 $0x1400, s21;
	[sflag:s25] =	ssyncadd.s32 $0xFFFFC000  }
0x9a: {  	[spmem:s4] =	stream.indirect.scatter.add.f32 [tilespmem:s26], [sflag:$0x3], $0x1, s1, s23, $0xb8;
	[tilespmem:$0x1ED80] =	vst v63  }
0x9b: {  	_ = 	snop  }
0x9c: {  	[spmem:s3] =	stream.indirect.scatter.add.f32 [tilespmem:s19], [sflag:$0x4], $0x80, s1, s23, $0xb8;
	[tilespmem:$0x1ED80] =	vst v63  }
0x9d: {  	_ =	swait.ge [sflag:s20], $0x4000  }
0x9e: {  	[sflag:s20] =	ssyncset.done $0x0  }
0x9f: {  	[sflag:s20] =	ssyncadd.s32 $0xFFFFC000  }
0xa0: {  	_ =	swait.ge [sflag:s28], $0x80  }
0xa1: {  	[sflag:s28] =	ssyncset.done $0x0  }
0xa2: {  	s1 =	sadd.s32 $0x100, s21;
	[sflag:s28] =	ssyncadd.s32 $0xFFFFFF80  }
0xa3: {  	[tilespmem:s19], [sflag:$0x1] =	stream.indirect.gather [hbm4b:s0+s23], $0x80, s1, s23, $0xb8;
	[tilespmem:$0x1ED80] =	vst v63  }
0xa4: {  	_ =	swait.ge [sflag:s29], $0x4000  }
0xa5: {  	[sflag:s29] =	ssyncset.done $0x0  }
0xa6: {  	s1 =	sadd.s32 $0x1480, s21;
	[sflag:s29] =	ssyncadd.s32 $0xFFFFC000  }
0xa7: {  	[spmem:s4] =	stream.indirect.scatter.add.f32 [tilespmem:s26], [sflag:$0x3], $0x1, s1, s23, $0xb8;
	[tilespmem:$0x1ED80] =	vst v63  }
0xa8: {  	_ = 	snop  }
0xa9: {  	[spmem:s3] =	stream.indirect.scatter.add.f32 [tilespmem:s24], [sflag:$0x4], $0x80, s1, s23, $0xb8;
	[tilespmem:$0x1ED80] =	vst v63  }
.Ltmp1:
0xaa: {  	_ =	swait.ge [sflag:s20], $0x4000;
	(pc) =	sbr.rel @p0 .LBB2_4-.Ltmp1, $4  }
0xab: {  	[sflag:s20] =	ssyncset.done $0x0  }
0xac: {  	[sflag:s20] =	ssyncadd.s32 $0xFFFFC000  }
0xad: {  	_ =	swait.ge [sflag:s28], $0x80  }
0xae: {  	s21 =	sshra.s32 s8, $0x2;
	s1 =	smov.u32 s9;
	[sflag:s28] =	ssyncset.done $0x0  }
0xaf: {  	s1 =	sadd.s32 $0x80, s21;
	[sflag:s28] =	ssyncadd.s32 $0xFFFFFF80  }
0xb0: {  	[tilespmem:s24], [sflag:$0x2] =	stream.indirect.gather [hbm4b:s0+s23], $0x80, s1, s23, $0xb8;
	[tilespmem:$0x1ED80] =	vst v63  }
0xb1: {  	_ =	swait.ge [sflag:s25], $0x4000  }
0xb2: {  	[sflag:s25] =	ssyncset.done $0x0  }
0xb3: {  	s7 =	sadd.s32 $0x1400, s21;
	[sflag:s25] =	ssyncadd.s32 $0xFFFFC000  }
0xb4: {  	[spmem:s4] =	stream.indirect.scatter.add.f32 [tilespmem:s26], [sflag:$0x3], $0x1, s7, s23, $0xb8;
	[tilespmem:$0x1ED80] =	vst v63  }
0xb5: {  	_ = 	snop  }
0xb6: {  	[spmem:s3] =	stream.indirect.scatter.add.f32 [tilespmem:s19], [sflag:$0x4], $0x80, s7, s23, $0xb8;
	[tilespmem:$0x1ED80] =	vst v63  }
0xb7: {  	_ =	swait.ge [sflag:s20], $0x4000  }
0xb8: {  	[sflag:s20] =	ssyncset.done $0x0  }
0xb9: {  	[sflag:s20] =	ssyncadd.s32 $0xFFFFC000  }
0xba: {  	_ =	swait.ge [sflag:s28], $0x80  }
0xbb: {  	[sflag:s28] =	ssyncset.done $0x0  }
0xbc: {  	s8 =	sadd.s32 $0x100, s21;
	[sflag:s28] =	ssyncadd.s32 $0xFFFFFF80  }
0xbd: {  	[tilespmem:s19], [sflag:$0x1] =	stream.indirect.gather [hbm4b:s0+s23], $0x80, s8, s23, $0xb8;
	[tilespmem:$0x1ED80] =	vst v63  }
0xbe: {  	_ =	swait.ge [sflag:s29], $0x4000  }
0xbf: {  	[sflag:s29] =	ssyncset.done $0x0  }
0xc0: {  	s9 =	sadd.s32 $0x1480, s21;
	[sflag:s29] =	ssyncadd.s32 $0xFFFFC000  }
0xc1: {  	[spmem:s4] =	stream.indirect.scatter.add.f32 [tilespmem:s26], [sflag:$0x3], $0x1, s9, s23, $0xb8;
	[tilespmem:$0x1ED80] =	vst v63  }
0xc2: {  	_ = 	snop  }
0xc3: {  	[spmem:s3] =	stream.indirect.scatter.add.f32 [tilespmem:s24], [sflag:$0x4], $0x80, s9, s23, $0xb8;
	[tilespmem:$0x1ED80] =	vst v63  }
0xc4: {  	_ =	swait.ge [sflag:s20], $0x4000  }
0xc5: {  	[sflag:s20] =	ssyncset.done $0x0  }
0xc6: {  	[sflag:s20] =	ssyncadd.s32 $0xFFFFC000  }
0xc7: {  	_ =	swait.ge [sflag:s28], $0x80  }
0xc8: {  	[sflag:s28] =	ssyncset.done $0x0  }
0xc9: {  	[sflag:s28] =	ssyncadd.s32 $0xFFFFFF80  }
0xca: {  	[tilespmem:s24], [sflag:$0x2] =	stream.indirect.gather [hbm4b:s0+s23], $0x80, s30, s23, $0xb8;
	[tilespmem:$0x1ED80] =	vst v63  }
0xcb: {  	_ =	swait.ge [sflag:s25], $0x4000  }
0xcc: {  	[sflag:s25] =	ssyncset.done $0x0  }
0xcd: {  	[sflag:s25] =	ssyncadd.s32 $0xFFFFC000  }
0xce: {  	[spmem:s4] =	stream.indirect.scatter.add.f32 [tilespmem:s26], [sflag:$0x3], $0x1, s31, s23, $0xb8;
	[tilespmem:$0x1ED80] =	vst v63  }
0xcf: {  	_ = 	snop  }
0xd0: {  	[spmem:s3] =	stream.indirect.scatter.add.f32 [tilespmem:s19], [sflag:$0x4], $0x80, s31, s23, $0xb8;
	[tilespmem:$0x1ED80] =	vst v63  }
0xd1: {  	_ =	swait.ge [sflag:s20], $0x4000  }
0xd2: {  	[sflag:s20] =	ssyncset.done $0x0  }
0xd3: {  	[sflag:s20] =	ssyncadd.s32 $0xFFFFC000  }
0xd4: {  	_ =	swait.ge [sflag:s28], $0x80  }
0xd5: {  	[sflag:s28] =	ssyncset.done $0x0  }
0xd6: {  	[sflag:s28] =	ssyncadd.s32 $0xFFFFFF80  }
0xd7: {  	_ =	swait.ge [sflag:s29], $0x4000  }
0xd8: {  	[sflag:s29] =	ssyncset.done $0x0  }
0xd9: {  	[sflag:s29] =	ssyncadd.s32 $0xFFFFC000  }
0xda: {  	[spmem:s4] =	stream.indirect.scatter.add.f32 [tilespmem:s26], [sflag:$0x3], $0x1, s2, s23, $0xb8;
	[tilespmem:$0x1ED80] =	vst v63  }
0xdb: {  	_ = 	snop  }
0xdc: {  	[spmem:s3] =	stream.indirect.scatter.add.f32 [tilespmem:s24], [sflag:$0x4], $0x80, s2, s23, $0xb8;
	[tilespmem:$0x1ED80] =	vst v63  }
0xdd: {  	_ =	swait.ge [sflag:s20], $0x4000  }
0xde: {  	[sflag:s20] =	ssyncset.done $0x0  }
0xdf: {  	[sflag:s20] =	ssyncadd.s32 $0xFFFFC000  }
0xe0: {  	_ =	swait.ge [sflag:s28], $0x80  }
0xe1: {  	[sflag:s28] =	ssyncset.done $0x0  }
0xe2: {  	s21 =	simm.s32 $0x0;
	[sflag:s28] =	ssyncadd.s32 $0xFFFFFF80  }
0xe3: {  	[tilespmem:s21], [sflag:$0x4] =	stream.linear.gather [hbm4b:s14+s21], $0x1400, $0x38;
	[tilespmem:$0x1ED80] =	vst v63  }
0xe4: {  	_ =	swait.ge [sflag:s20], $0x1400  }
0xe5: {  	[sflag:s20] =	ssyncset.done $0x0  }
0xe6: {  	[sflag:s20] =	ssyncadd.s32 $0xFFFFEC00  }
0xe7: {  	[tilespmem:s22], [sflag:$0x4] =	stream.linear.gather [hbm4b:s15+s21], $0x1400, $0x38;
	[tilespmem:$0x1ED80] =	vst v63  }
0xe8: {  	_ =	swait.ge [sflag:s20], $0x1400  }
0xe9: {  	[sflag:s20] =	ssyncset.done $0x0  }
0xea: {  	[sflag:s20] =	ssyncadd.s32 $0xFFFFEC00  }
0xeb: {  	[tilespmem:s19], [sflag:$0x1] =	stream.indirect.gather [hbm4b:s0+s23], $0x80, s21, s23, $0xb8;
	[tilespmem:$0x1ED80] =	vst v63  }
0xec: {  	s7 =	simm.s32 $0x80  }
0xed: {  	[tilespmem:s24], [sflag:$0x2] =	stream.indirect.gather [hbm4b:s0+s23], $0x80, s7, s23, $0xb8;
	[tilespmem:$0x1ED80] =	vst v63  }
0xee: {  	_ =	swait.ge [sflag:s25], $0x4000  }
0xef: {  	[sflag:s25] =	ssyncset.done $0x0  }
0xf0: {  	s8 =	simm.s32 $0x1400;
	[sflag:s25] =	ssyncadd.s32 $0xFFFFC000  }
0xf1: {  	[spmem:s4] =	stream.indirect.scatter.add.f32 [tilespmem:s26], [sflag:$0x3], $0x1, s8, s23, $0xb8;
	[tilespmem:$0x1ED80] =	vst v63  }
0xf2: {  	_ = 	snop  }
0xf3: {  	[spmem:s3] =	stream.indirect.scatter.add.f32 [tilespmem:s19], [sflag:$0x4], $0x80, s8, s23, $0xb8;
	[tilespmem:$0x1ED80] =	vst v63  }
0xf4: {  	_ =	swait.ge [sflag:s20], $0x4000  }
0xf5: {  	[sflag:s20] =	ssyncset.done $0x0  }
0xf6: {  	[sflag:s20] =	ssyncadd.s32 $0xFFFFC000  }
0xf7: {  	_ =	swait.ge [sflag:s28], $0x80  }
0xf8: {  	[sflag:s28] =	ssyncset.done $0x0  }
0xf9: {  	s9 =	simm.s32 $0x100;
	[sflag:s28] =	ssyncadd.s32 $0xFFFFFF80  }
0xfa: {  	[tilespmem:s19], [sflag:$0x1] =	stream.indirect.gather [hbm4b:s0+s23], $0x80, s9, s23, $0xb8;
	[tilespmem:$0x1ED80] =	vst v63  }
0xfb: {  	_ =	swait.ge [sflag:s29], $0x4000  }
0xfc: {  	[sflag:s29] =	ssyncset.done $0x0  }
0xfd: {  	s21 =	simm.s32 $0x1480;
	[sflag:s29] =	ssyncadd.s32 $0xFFFFC000  }
0xfe: {  	[spmem:s4] =	stream.indirect.scatter.add.f32 [tilespmem:s26], [sflag:$0x3], $0x1, s21, s23, $0xb8;
	[tilespmem:$0x1ED80] =	vst v63  }
0xff: {  	_ = 	snop  }
0x100: {  	[spmem:s3] =	stream.indirect.scatter.add.f32 [tilespmem:s24], [sflag:$0x4], $0x80, s21, s23, $0xb8;
	[tilespmem:$0x1ED80] =	vst v63  }
0x101: {  	_ =	swait.ge [sflag:s20], $0x4000  }
0x102: {  	[sflag:s20] =	ssyncset.done $0x0  }
0x103: {  	[sflag:s20] =	ssyncadd.s32 $0xFFFFC000  }
0x104: {  	_ =	swait.ge [sflag:s28], $0x80  }
0x105: {  	s1 =	simm.s32 $0x800;
	s21 =	simm.s32 $0x100;
	[sflag:s28] =	ssyncset.done $0x0  }
.LBB2_6:
0x106: {  	s7 =	sadd.s32 $0x80, s21  }
0x107: {  	[sflag:s28] =	ssyncadd.s32 $0xFFFFFF80;
	s8 =	smov.u32 s1;
	s9 =	sadd.s32 $0x400, s1  }
0x108: {  	[tilespmem:s24], [sflag:$0x2] =	stream.indirect.gather [hbm4b:s0+s23], $0x80, s7, s23, $0xb8;
	[tilespmem:$0x1ED80] =	vst v63  }
0x109: {  	p0 =	sne.s32 s1, $0x4800;
	_ =	swait.ge [sflag:s25], $0x4000  }
0x10a: {  	[sflag:s25] =	ssyncset.done $0x0  }
0x10b: {  	s1 =	sadd.s32 $0x1400, s21;
	[sflag:s25] =	ssyncadd.s32 $0xFFFFC000  }
0x10c: {  	[spmem:s4] =	stream.indirect.scatter.add.f32 [tilespmem:s26], [sflag:$0x3], $0x1, s1, s23, $0xb8;
	[tilespmem:$0x1ED80] =	vst v63  }
0x10d: {  	_ = 	snop  }
0x10e: {  	[spmem:s3] =	stream.indirect.scatter.add.f32 [tilespmem:s19], [sflag:$0x4], $0x80, s1, s23, $0xb8;
	[tilespmem:$0x1ED80] =	vst v63  }
0x10f: {  	_ =	swait.ge [sflag:s20], $0x4000  }
0x110: {  	[sflag:s20] =	ssyncset.done $0x0  }
0x111: {  	[sflag:s20] =	ssyncadd.s32 $0xFFFFC000  }
0x112: {  	_ =	swait.ge [sflag:s28], $0x80  }
0x113: {  	[sflag:s28] =	ssyncset.done $0x0  }
0x114: {  	s1 =	sadd.s32 $0x100, s21;
	[sflag:s28] =	ssyncadd.s32 $0xFFFFFF80  }
0x115: {  	[tilespmem:s19], [sflag:$0x1] =	stream.indirect.gather [hbm4b:s0+s23], $0x80, s1, s23, $0xb8;
	[tilespmem:$0x1ED80] =	vst v63  }
0x116: {  	_ =	swait.ge [sflag:s29], $0x4000  }
0x117: {  	[sflag:s29] =	ssyncset.done $0x0  }
0x118: {  	s1 =	sadd.s32 $0x1480, s21;
	[sflag:s29] =	ssyncadd.s32 $0xFFFFC000  }
0x119: {  	[spmem:s4] =	stream.indirect.scatter.add.f32 [tilespmem:s26], [sflag:$0x3], $0x1, s1, s23, $0xb8;
	[tilespmem:$0x1ED80] =	vst v63  }
0x11a: {  	_ = 	snop  }
0x11b: {  	[spmem:s3] =	stream.indirect.scatter.add.f32 [tilespmem:s24], [sflag:$0x4], $0x80, s1, s23, $0xb8;
	[tilespmem:$0x1ED80] =	vst v63  }
.Ltmp2:
0x11c: {  	_ =	swait.ge [sflag:s20], $0x4000;
	(pc) =	sbr.rel @p0 .LBB2_6-.Ltmp2, $4  }
0x11d: {  	[sflag:s20] =	ssyncset.done $0x0  }
0x11e: {  	[sflag:s20] =	ssyncadd.s32 $0xFFFFC000  }
0x11f: {  	_ =	swait.ge [sflag:s28], $0x80  }
0x120: {  	s21 =	sshra.s32 s8, $0x2;
	s1 =	smov.u32 s9;
	[sflag:s28] =	ssyncset.done $0x0  }
0x121: {  	s1 =	sadd.s32 $0x80, s21;
	[sflag:s28] =	ssyncadd.s32 $0xFFFFFF80  }
0x122: {  	[tilespmem:s24], [sflag:$0x2] =	stream.indirect.gather [hbm4b:s0+s23], $0x80, s1, s23, $0xb8;
	[tilespmem:$0x1ED80] =	vst v63  }
0x123: {  	_ =	swait.ge [sflag:s25], $0x4000  }
0x124: {  	[sflag:s25] =	ssyncset.done $0x0  }
0x125: {  	s9 =	sadd.s32 $0x1400, s21;
	[sflag:s25] =	ssyncadd.s32 $0xFFFFC000  }
0x126: {  	[spmem:s4] =	stream.indirect.scatter.add.f32 [tilespmem:s26], [sflag:$0x3], $0x1, s9, s23, $0xb8;
	[tilespmem:$0x1ED80] =	vst v63  }
0x127: {  	_ = 	snop  }
0x128: {  	[spmem:s3] =	stream.indirect.scatter.add.f32 [tilespmem:s19], [sflag:$0x4], $0x80, s9, s23, $0xb8;
	[tilespmem:$0x1ED80] =	vst v63  }
0x129: {  	_ =	swait.ge [sflag:s20], $0x4000  }
0x12a: {  	[sflag:s20] =	ssyncset.done $0x0  }
0x12b: {  	[sflag:s20] =	ssyncadd.s32 $0xFFFFC000  }
0x12c: {  	_ =	swait.ge [sflag:s28], $0x80  }
0x12d: {  	[sflag:s28] =	ssyncset.done $0x0  }
0x12e: {  	s7 =	sadd.s32 $0x100, s21;
	[sflag:s28] =	ssyncadd.s32 $0xFFFFFF80  }
0x12f: {  	[tilespmem:s19], [sflag:$0x1] =	stream.indirect.gather [hbm4b:s0+s23], $0x80, s7, s23, $0xb8;
	[tilespmem:$0x1ED80] =	vst v63  }
0x130: {  	_ =	swait.ge [sflag:s29], $0x4000  }
0x131: {  	[sflag:s29] =	ssyncset.done $0x0  }
0x132: {  	s8 =	sadd.s32 $0x1480, s21;
	[sflag:s29] =	ssyncadd.s32 $0xFFFFC000  }
0x133: {  	[spmem:s4] =	stream.indirect.scatter.add.f32 [tilespmem:s26], [sflag:$0x3], $0x1, s8, s23, $0xb8;
	[tilespmem:$0x1ED80] =	vst v63  }
0x134: {  	_ = 	snop  }
0x135: {  	[spmem:s3] =	stream.indirect.scatter.add.f32 [tilespmem:s24], [sflag:$0x4], $0x80, s8, s23, $0xb8;
	[tilespmem:$0x1ED80] =	vst v63  }
0x136: {  	_ =	swait.ge [sflag:s20], $0x4000  }
0x137: {  	[sflag:s20] =	ssyncset.done $0x0  }
0x138: {  	[sflag:s20] =	ssyncadd.s32 $0xFFFFC000  }
0x139: {  	_ =	swait.ge [sflag:s28], $0x80  }
0x13a: {  	[sflag:s28] =	ssyncset.done $0x0  }
0x13b: {  	[sflag:s28] =	ssyncadd.s32 $0xFFFFFF80  }
0x13c: {  	[tilespmem:s24], [sflag:$0x2] =	stream.indirect.gather [hbm4b:s0+s23], $0x80, s30, s23, $0xb8;
	[tilespmem:$0x1ED80] =	vst v63  }
0x13d: {  	_ =	swait.ge [sflag:s25], $0x4000  }
0x13e: {  	[sflag:s25] =	ssyncset.done $0x0  }
0x13f: {  	[sflag:s25] =	ssyncadd.s32 $0xFFFFC000  }
0x140: {  	[spmem:s4] =	stream.indirect.scatter.add.f32 [tilespmem:s26], [sflag:$0x3], $0x1, s31, s23, $0xb8;
	[tilespmem:$0x1ED80] =	vst v63  }
0x141: {  	_ = 	snop  }
0x142: {  	[spmem:s3] =	stream.indirect.scatter.add.f32 [tilespmem:s19], [sflag:$0x4], $0x80, s31, s23, $0xb8;
	[tilespmem:$0x1ED80] =	vst v63  }
0x143: {  	_ =	swait.ge [sflag:s20], $0x4000  }
0x144: {  	[sflag:s20] =	ssyncset.done $0x0  }
0x145: {  	[sflag:s20] =	ssyncadd.s32 $0xFFFFC000  }
0x146: {  	_ =	swait.ge [sflag:s28], $0x80  }
0x147: {  	[sflag:s28] =	ssyncset.done $0x0  }
0x148: {  	[sflag:s28] =	ssyncadd.s32 $0xFFFFFF80  }
0x149: {  	_ =	swait.ge [sflag:s29], $0x4000  }
0x14a: {  	[sflag:s29] =	ssyncset.done $0x0  }
0x14b: {  	[sflag:s29] =	ssyncadd.s32 $0xFFFFC000  }
0x14c: {  	[spmem:s4] =	stream.indirect.scatter.add.f32 [tilespmem:s26], [sflag:$0x3], $0x1, s2, s23, $0xb8;
	[tilespmem:$0x1ED80] =	vst v63  }
0x14d: {  	_ = 	snop  }
0x14e: {  	[spmem:s3] =	stream.indirect.scatter.add.f32 [tilespmem:s24], [sflag:$0x4], $0x80, s2, s23, $0xb8;
	[tilespmem:$0x1ED80] =	vst v63  }
0x14f: {  	_ =	swait.ge [sflag:s20], $0x4000  }
0x150: {  	[sflag:s20] =	ssyncset.done $0x0  }
0x151: {  	[sflag:s20] =	ssyncadd.s32 $0xFFFFC000  }
0x152: {  	_ =	swait.ge [sflag:s28], $0x80  }
0x153: {  	s9 =	stileid.u32;
	[sflag:s28] =	ssyncset.done $0x0  }
0x154: {  	s1 =	sshll.u32 s9, $0x6;
	[sflag:s28] =	ssyncadd.s32 $0xFFFFFF80  }
0x155: {  	s1 =	sor.u32 $0x1C04, s1;
	s7 =	sshrl.u32 s6, $0x3;
	[bflag:$0x0] =	sbarrier.arrive $0xFFFF  }
0x156: {  	[hbm:s16], [sflag:s1] =	dma.local [spmem:s7], $0x2800  }
0x157: {  	s21 =	sshrl.u32 s11, $0x3;
	s5 =	sadd.s32 $0x1, s5;
	_ =	swait.ge [sflag:s20], $0x2800  }
0x158: {  	p0 =	sne.s32 s5, s18;
	s9 =	simm.s32 $0x10;
	[sflag:s20] =	ssyncset.done $0x0  }
.Ltmp3:
0x159: {  	s8 =	simm.s32 $0x20;
	[sflag:s20] =	ssyncadd.s32 $0xFFFFD800;
	(pc) =	sbr.rel @p0 .LBB2_1-.Ltmp3, $4  }
0x15a: {  	[hbm:s17@s8], [sflag:s1] =	dma.strided [spmem:s21@s9], $0x50, s25, $0x10   }
0x15b: {  	_ =	swait.ge [sflag:s20], $0x50  }
0x15c: {  	[sflag:s20] =	ssyncset.done $0x0  }
0x15d: {  	[sflag:s20] =	ssyncadd.s32 $0xFFFFFFB0  }
0x15e: {  	_ =	sfence.sel $0x180000  }
0x15f: {  	[bflag:$0x0] =	sbarrier.arrive $0xFFFF  }
0x160: {  	_ =	strace $0x90000047  }
0x161: {  	s0 =	stileid.u32;
	[bflag:$0x2] =	sbarrier.arrive $0xFFFF  }
0x162: {  	p0 =	sne.s32 s0, $0x0;
	s0 =	rddreg [dreg:$0x5]  }
0x163: {  	s0 =	sadd.s32 @!p0 $0x100000, s0  }
0x164: {  	[sflag:s0] =	ssyncadd.tile.s32 @!p0 $0x1;
	_ =	shalt  }
.Lfunc_end2:
_tile_overlayer_lowered:
.L_overlay_start_2:
0x165: {  	(tag) =	ssettag $0x2  }
0x166: {  	s0 =	rddreg [dreg:$0x0];
	s2 =	stileid.u32  }
0x167: {  	s1 =	rddreg [dreg:$0x1];
	p0 =	sne.s32 s2, $0x0  }
0x168: {  	s3 =	rddreg [dreg:$0x2];
	[bflag:$0x3] =	sbarrier.arrive $0xFFFF;
	s2 =	simm.s32 @!p0 $0x1C04  }
0x169: {  	[timem:s3], [sflag:s2] =	dma.local @!p0 [hbm:s0], s1  }
0x16a: {  	s0 =	simm.s32 @!p0 $0x4  }
0x16b: {  	_ =	swait.ge @!p0 [sflag:s0], s1  }
0x16c: {  	s1 =	ssub.s32 @!p0 $0x0, s1;
	[sflag:s0] =	ssyncset.done @!p0 $0x0  }
0x16d: {  	[sflag:s0] =	ssyncadd.s32 @!p0 s1  }
0x16e: {  	[bflag:$0x3] =	sbarrier.arrive $0xFFFF  }
0x16f: {  	_ =	shalt  }

// kernel: kernel.9.cloned.1.call-start
scs
__scs_entry_jumppad:
0x0: {  	(pc) =	sbr.rel $0x88, $3  }
0x1: {  	(tag) =	ssettag $0x0;
	lr =	simm.s32 $0x1  }
0x2: {  	[smem:$0x3F97] =	sst lr;
	_ =	strace $0xD0000000  }
0x3: {  	_ = 	snop  }
0x4: {  	_ = 	snop  }
0x5: {  	_ = 	snop  }
0x6: {  	_ = 	snop  }
0x7: {  	_ = 	snop  }
__scs_overlays_trampoline_lowered:
0x8: {  	[smem:$0x3FA6] =	sst s0  }
0x9: {  	[smem:$0x3FA7] =	sst s1  }
0xa: {  	[smem:$0x3FA8] =	sst s2  }
0xb: {  	[smem:$0x3FA9] =	sst s3  }
0xc: {  	[smem:$0x3FAA] =	sst s4  }
0xd: {  	[smem:$0x3FAB] =	sst s5  }
0xe: {  	[smem:$0x3FAC] =	sst s6  }
0xf: {  	[smem:$0x3FAD] =	sst s7  }
0x10: {  	[smem:$0x3FAE] =	sst s8  }
0x11: {  	[smem:$0x3FAF] =	sst s9;
	s0 =	simm.s32 @!p0 $0x0  }
0x12: {  	s1 =	sld [smem:$0x3F95];
	s0 =	simm.s32 @p0 $0x1  }
0x13: {  	[smem:$0x3FB0] =	sst s0;
	s0 =	simm.s32 @!p1 $0x0  }
0x14: {  	s2 =	sld [smem:$0x3F94];
	s0 =	simm.s32 @p1 $0x1  }
0x15: {  	[smem:$0x3FB1] =	sst s0;
	s0 =	simm.s32 @!p2 $0x0  }
0x16: {  	s3 =	sld [smem:$0x3FDB];
	s0 =	simm.s32 @p2 $0x1  }
0x17: {  	s4 =	simm.s32 $0x1BF5;
	[smem:$0x3FB3] =	sst s0  }
0x18: {  	s0 =	sld [smem:$0x3F96];
	_ =	swait.ge [sflag:s4], $0x0  }
0x19: {  	s7 =	sld [smem:$0x3F97]  }
0x1a: {  	s8 =	sadd.s32 $0xFFFFE003, lr  }
0x1b: {  	s9 =	sadd.s32 $0xFFFFFEF7, lr;
	s5 =	simm.s32 $0xFFFFFFFF;
	p2 =	slt.u32 s8, $0xFFFFF086  }
0x1c: {  	p1 =	slt.u32 s9, $0xF7A;
	s5 =	simm.s32 @!p2 $0x0  }
0x1d: {  	s5 =	simm.s32 @p1 $0x1;
	p0 =	seq.s32 s7, s2  }
0x1e: {  	s7 =	smul.u32 @!p0 $0xF7A, s2;
	p2 =	seq.s32 @!p0 s5, $0x0  }
0x1f: {  	s9 =	smul.u32 $0xF7A, s1;
	s8 =	simm.s32 @!p0 $0x1BF5;
	p2 =	por !p2, p0  }
0x20: {  	[sflag:s8] =	ssyncset.s32 @!p0 $0xFFFFF086;
	s6 =	sadd.s32 @!p0 s3, s7;
	s7 =	simm.s32 @!p0 $0x108  }
0x21: {  	s3 =	sadd.s32 s3, s9;
	s6 =	sadd.s32 @!p0 $0x88, s6;
	s7 =	simm.s32 @p2 $0x1082  }
0x22: {  	[simem:s7], [sflag:s8] =	dma.local @!p0 [hbm:s6], $0xF7A  }
0x23: {  	s9 =	sor.u32 $0xD0000000, s2;
	s6 =	simm.s32 $0x108;
	_ =	swait.ge @!p0 [sflag:s8], $0x0  }
0x24: {  	s3 =	sadd.s32 $0x88, s3;
	s6 =	simm.s32 @!p1 $0x1082;
	[sflag:s4] =	ssyncset.s32 $0xFFFFF086  }
0x25: {  	[simem:s6], [sflag:s4] =	dma.local [hbm:s3], $0xF7A  }
0x26: {  	[smem:$0x3F97] =	sst s1;
	(tag) =	ssettag s2;
	_ =	strace s9  }
0x27: {  	s1 =	sld [smem:$0x3FA7]  }
0x28: {  	s2 =	sld [smem:$0x3FA8]  }
0x29: {  	s4 =	sld [smem:$0x3FAA]  }
0x2a: {  	p0 =	seq.s32 s5, $0x0;
	s5 =	sld [smem:$0x3FAB]  }
0x2b: {  	s6 =	sld [smem:$0x3FAC]  }
0x2c: {  	s7 =	sld [smem:$0x3FAD]  }
0x2d: {  	s3 =	simm.s32 $0x108;
	s8 =	sld [smem:$0x3FAE]  }
0x2e: {  	s3 =	simm.s32 @!p0 $0x1082;
	s9 =	sld [smem:$0x3FAF]  }
0x2f: {  	lr =	sadd.s32 s0, s3;
	s0 =	sld [smem:$0x3FA6]  }
0x30: {  	s3 =	sld [smem:$0x3FA9]  }
0x31: {  	[smem:$0x3FB2] =	sst s10  }
0x32: {  	s10 =	sld [smem:$0x3FB0];
	_ =	sdelay $0x3  }
0x33: {  	p0 =	seq.s32 s10, $0x1;
	s10 =	sld [smem:$0x3FB2];
	_ =	sdelay $0x3  }
0x34: {  	[smem:$0x3FB2] =	sst s10  }
0x35: {  	s10 =	sld [smem:$0x3FB1];
	_ =	sdelay $0x3  }
0x36: {  	p1 =	seq.s32 s10, $0x1;
	s10 =	sld [smem:$0x3FB2];
	_ =	sdelay $0x3  }
0x37: {  	[smem:$0x3FB2] =	sst s10  }
0x38: {  	s10 =	sld [smem:$0x3FB3]  }
0x39: {  	_ = 	snop;
	(pc) =	sbr.ind lr, $3  }
0x3a: {  	_ = 	snop  }
0x3b: {  	_ = 	snop  }
0x3c: {  	p2 =	seq.s32 s10, $0x1;
	s10 =	sld [smem:$0x3FB2]  }
0x3d: {  	_ =	shalt  }
0x3e: {  	_ =	shalt  }
0x3f: {  	_ =	shalt  }
0x40: {  	_ =	shalt  }
0x41: {  	_ =	shalt  }
0x42: {  	_ =	shalt  }
0x43: {  	_ =	shalt  }
0x44: {  	_ =	shalt  }
0x45: {  	_ =	shalt  }
0x46: {  	_ =	shalt  }
0x47: {  	_ =	shalt  }
0x48: {  	_ =	shalt  }
0x49: {  	_ =	shalt  }
0x4a: {  	_ =	shalt  }
0x4b: {  	_ =	shalt  }
0x4c: {  	_ =	shalt  }
0x4d: {  	_ =	shalt  }
0x4e: {  	_ =	shalt  }
0x4f: {  	_ =	shalt  }
0x50: {  	_ =	shalt  }
0x51: {  	_ =	shalt  }
0x52: {  	_ =	shalt  }
0x53: {  	_ =	shalt  }
0x54: {  	_ =	shalt  }
0x55: {  	_ =	shalt  }
0x56: {  	_ =	shalt  }
0x57: {  	_ =	shalt  }
0x58: {  	_ =	shalt  }
0x59: {  	_ =	shalt  }
0x5a: {  	_ =	shalt  }
0x5b: {  	_ =	shalt  }
0x5c: {  	_ =	shalt  }
0x5d: {  	_ =	shalt  }
0x5e: {  	_ =	shalt  }
0x5f: {  	_ =	shalt  }
0x60: {  	_ =	shalt  }
0x61: {  	_ =	shalt  }
0x62: {  	_ =	shalt  }
0x63: {  	_ =	shalt  }
0x64: {  	_ =	shalt  }
0x65: {  	_ =	shalt  }
0x66: {  	_ =	shalt  }
0x67: {  	_ =	shalt  }
0x68: {  	_ =	shalt  }
0x69: {  	_ =	shalt  }
0x6a: {  	_ =	shalt  }
0x6b: {  	_ =	shalt  }
0x6c: {  	_ =	shalt  }
0x6d: {  	_ =	shalt  }
0x6e: {  	_ =	shalt  }
0x6f: {  	_ =	shalt  }
0x70: {  	_ =	shalt  }
0x71: {  	_ =	shalt  }
0x72: {  	_ =	shalt  }
0x73: {  	_ =	shalt  }
0x74: {  	_ =	shalt  }
0x75: {  	_ =	shalt  }
0x76: {  	_ =	shalt  }
0x77: {  	_ =	shalt  }
0x78: {  	_ =	shalt  }
0x79: {  	_ =	shalt  }
0x7a: {  	_ =	shalt  }
0x7b: {  	_ =	shalt  }
0x7c: {  	_ =	shalt  }
0x7d: {  	_ =	shalt  }
0x7e: {  	_ =	shalt  }
0x7f: {  	_ =	shalt  }
0x80: {  	_ =	shalt  }
0x81: {  	_ =	shalt  }
0x82: {  	_ =	shalt  }
0x83: {  	_ =	shalt  }
0x84: {  	_ =	shalt  }
0x85: {  	_ =	shalt  }
0x86: {  	_ =	shalt  }
0x87: {  	_ =	shalt  }
.Lfunc_end0:
.L_simem_size_0:
called_computation.1_lowered:
.L_overlay_start_0:
0x88: {  	s2 =	sld [smem:$0x3FD9]  }
0x89: {  	s3 =	sld [smem:$0x3FFE];
	_ =	sdelay $0x1  }
0x8a: {  	s1 =	srdreg.scid  }
0x8b: {  	s0 =	sand.u32 $0x1, s1  }
0x8c: {  	s17 =	sshll.u32 s0, $0xA;
	s2 =	sadd.s32 s3, s2  }
0x8d: {  	s2 =	sadd.s32 s2, s17  }
0x8e: {  	[smem:$0x3FBE] =	sst s2  }
0x8f: {  	_ = 	snop  }
0x90: {  	s2 =	sld [smem:$0x3FD0];
	(tm) =	ssettm $0x1  }
0x91: {  	s18 =	sld [smem:$0x3FFB];
	_ =	sdelay $0x3  }
0x92: {  	_ =	strace s18  }
0x93: {  	s3 =	sld [smem:$0x3FFC];
	_ =	sdelay $0x3  }
0x94: {  	_ =	strace s3  }
0x95: {  	s3 =	sld [smem:$0x3FFD];
	_ =	sdelay $0x3  }
0x96: {  	_ =	strace s3  }
0x97: {  	_ =	strace $0x8FFFFFFF  }
0x98: {  	s19 =	sld [smem:$0x3FDB];
	_ =	sdelay $0x1  }
0x99: {  	s4 =	simm.s32 $_scs_section_size  }
0x9a: {  	s5 =	simm.s32 $_size__tile_overlayer_lowered;
	s6 =	simm.s32 $_tile_overlayer_lowered  }
0x9b: {  	s22 =	simm.s32 $0x1BFF;
	s21 =	sshll.u32 s6, $0x1;
	s3 =	sadd.s32 s4, s19  }
0x9c: {  	s7 =	simm.s32 $0x0;
	s20 =	sshll.u32 s5, $0x1;
	s5 =	sadd.s32 s21, s3  }
0x9d: {  	[timem:s7], [sflag:s22] =	dma.local [hbm:s5], s20  }
0x9e: {  	_ =	swait.ge [sflag:s22], s20  }
0x9f: {  	s4 =	ssub.s32 $0x0, s20;
	[sflag:s22] =	ssyncset.done $0x0  }
0xa0: {  	[sflag:s22] =	ssyncadd.s32 s4;
	_ =	sdelay $0x1  }
0xa1: {  	s23 =	simm.s32 $0x1B8B  }
0xa2: {  	_ =	swait.ge [sflag:s23], $0x1  }
0xa3: {  	[sflag:s23] =	ssyncset.done $0x0  }
0xa4: {  	s25 =	simm.s32 $0x1B8E;
	s24 =	sld [smem:$0x3FFE];
	[sflag:s23] =	ssyncadd.s32 $0xFFFFFFFF  }
0xa5: {  	s26 =	simm.s32 $execute0_lowered;
	[smem:$0x3FD2] =	sst s25  }
0xa6: {  	s5 =	sshll.u32 s26, $0x1;
	_ =	strace $0x80000049;
	[dreg:$0x1] =	wrdreg $0xFFFFFFFF  }
0xa7: {  	s28 =	simm.s32 $_size_execute0_lowered;
	s3 =	sadd.s32 s3, s5;
	[dreg:$0x0] =	wrdreg $0x0  }
0xa8: {  	s5 =	sshll.u32 s28, $0x1;
	[dreg:$0x2] =	wrdreg s3  }
0xa9: {  	[dreg:$0x3] =	wrdreg s5  }
0xaa: {  	[dreg:$0x4] =	wrdreg $0xC0  }
0xab: {  	_ =	task [dreg:s7], $0x5FFFF  }
0xac: {  	[dreg:$0x1] =	wrdreg $0xFFFFFFFF  }
0xad: {  	[dreg:$0x0] =	wrdreg $0x60  }
0xae: {  	[dreg:$0x2] =	wrdreg s24  }
0xaf: {  	[dreg:$0x3] =	wrdreg s2  }
0xb0: {  	[dreg:$0x4] =	wrdreg $0xA8000  }
0xb1: {  	[dreg:$0x5] =	wrdreg $0x9  }
0xb2: {  	_ =	task.clear_ibuf [dreg:s7], $0x6FFFF;
	_ =	strace $0x90000049  }
0xb3: {  	s29 =	simm.s32 $0x9;
	_ =	strace $0x8000004B  }
0xb4: {  	_ =	swait.ge [sflag:s29], $0x1  }
0xb5: {  	[sflag:s29] =	ssyncadd.s32 $0xFFFFFFFF  }
0xb6: {  	_ =	strace $0x9000004B  }
0xb7: {  	_ =	sfence  }
0xb8: {  	s30 =	sld [smem:$0x0];
	_ =	sdelay $0x2  }
0xb9: {  	s31 =	sshll.u32 s1, $0xD;
	s1 =	sshrl.u32 s1, $0x2  }
0xba: {  	s3 =	sand.u32 $0x4000, s31;
	s1 =	sadd.s32 s1, s30  }
0xbb: {  	s0 =	sor.u32 s3, s0;
	s1 =	sshll.u32 s1, $0x11  }
0xbc: {  	s0 =	sor.u32 s1, s0  }
0xbd: {  	s0 =	sadd.s32 $0x8F2B, s0  }
0xbe: {  	[sflag:s0] =	ssyncadd.remote.s32 $0x1  }
0xbf: {  	_ =	sfence.sel $0xFFFF  }
0xc0: {  	[dreg:$0x0] =	wrdreg $0xFFFFFFFF;
	(pc) =	sbr.abs _section_cstart, $3  }
0xc1: {  	[dreg:$0x1] =	wrdreg $0xFFFFFFFF  }
0xc2: {  	_ =	task.clear_ibuf [dreg:s7], $0x2FFFF;
	_ =	strace $0x9FFFFFFF  }
0xc3: {  	(tm) =	ssettm $0x7FFFFFFF  }
tec
execute0_lowered:
.L_overlay_start_1:
0x0: {  	(tag) =	ssettag $0x1  }
0x1: {  	s6 =	rddreg [dreg:$0x0]  }
0x2: {  	s12 =	rddreg [dreg:$0x1]  }
0x3: {  	s1 =	rddreg [dreg:$0x2]  }
0x4: {  	s2 =	srdreg.scid;
	s0 =	rddreg [dreg:$0x3];
	s3 =	simm.s32 $0x0  }
0x5: {  	s17 =	simm.s32 $0x3;
	s18 =	simm.s32 $0x1400;
	s19 =	simm.s32 $0x80  }
0x6: {  	s20 =	simm.s32 $0x6800;
	s21 =	simm.s32 $0x1;
	s22 =	simm.s32 $0x2  }
0x7: {  	s23 =	simm.s32 $0x1380;
	s24 =	simm.s32 $0x2700;
	s5 =	sand.u32 $0x1, s2  }
0x8: {  	s25 =	simm.s32 $0x2780;
	s2 =	stileid.u32;
	s7 =	smul.u32 $0x140000, s5  }
0x9: {  	[smem:$0x7FF] =	sst s3;
	s4 =	sadd.s32 $0xC800, s6;
	s8 =	smul.u32 $0x14000, s2  }
0xa: {  	s13 =	sadd.s32 $0x2800, s6;
	s29 =	smul.u32 $0x50000, s2;
	s9 =	sshll.u32 s5, $0x4  }
0xb: {  	_ =	strace $0x8000004A;
	s10 =	ssub.s32 $0x2, s5;
	s9 =	sor.u32 s2, s9  }
0xc: {  	s31 =	sshrl.u32 s10, $0x1;
	s7 =	sadd.s32 s8, s7;
	s30 =	sshrl.u32 s29, $0x2  }
0xd: {  	s9 =	smul.u32 $0x2800, s9;
	s15 =	ssub.s32 s10, s31;
	s7 =	sshrl.u32 s7, $0x3  }
0xe: {  	s5 =	sadd.s32 s30, s1;
	s15 =	smax.u32 s15, $0x1;
	s14 =	sadd.s32 s7, s6  }
0xf: {  	s6 =	sadd.s32 $0x4000, s5;
	s7 =	sadd.s32 $0x8000, s5;
	s11 =	sshrl.u32 s9, $0x3  }
0x10: {  	s8 =	sadd.s32 $0xC000, s5;
	s9 =	sadd.s32 $0x10000, s5;
	s10 =	sadd.s32 s12, s11  }
0x11: {  	s16 =	sadd.s32 $0x280, s11;
	s11 =	sadd.s32 s13, s11;
	s14 =	sadd.s32 $0x5D200, s14  }
0x12: {  	v0 =	vimm.f32 $0.0e+00;
	s12 =	sadd.s32 s12, s16;
	s13 =	sadd.s32 s13, s16;
	s16 =	simm.s32 $0x2800  }
.LBB2_1:
0x13: {  	s26 =	simm.s32 $0x0;
	s28 =	simm.s32 $0x200  }
.LBB2_2:
0x14: {  	p0 =	sne.s32 s28, $0xFE00;
	[tilespmem:s26+$0x2870] =	vst v0  }
0x15: {  	[tilespmem:s26+$0x2800] =	vst v0  }
0x16: {  	[tilespmem:s26+$0x2810] =	vst v0  }
.Ltmp0:
0x17: {  	[tilespmem:s26+$0x2820] =	vst v0;
	(pc) =	sbr.rel @p0 .LBB2_2-.Ltmp0, $4  }
0x18: {  	[tilespmem:s26+$0x2830] =	vst v0  }
0x19: {  	[tilespmem:s26+$0x2840] =	vst v0  }
0x1a: {  	[tilespmem:s26+$0x2850] =	vst v0  }
0x1b: {  	[tilespmem:s26+$0x2860] =	vst v0;
	s26 =	sshra.s32 s28, $0x2;
	s28 =	sadd.s32 $0x200, s28  }
0x1c: {  	[tilespmem:s26+$0x2870] =	vst v0  }
0x1d: {  	[tilespmem:s26+$0x2800] =	vst v0  }
0x1e: {  	[tilespmem:s26+$0x2810] =	vst v0  }
0x1f: {  	[tilespmem:s26+$0x2820] =	vst v0  }
0x20: {  	[tilespmem:s26+$0x2830] =	vst v0  }
0x21: {  	[tilespmem:s26+$0x2840] =	vst v0  }
0x22: {  	[tilespmem:s26+$0x2850] =	vst v0  }
0x23: {  	[tilespmem:s26+$0x2860] =	vst v0  }
0x24: {  	[spmem:s5] =	stream.linear.scatter [tilespmem:s16], [sflag:$0x3], $0x4000, $0x38;
	[tilespmem:$0x1E800] =	vst v63  }
0x25: {  	_ =	swait.ge [sflag:s17], $0x4000  }
0x26: {  	[sflag:s17] =	ssyncset.done $0x0  }
0x27: {  	[sflag:s17] =	ssyncadd.s32 $0xFFFFC000  }
0x28: {  	[spmem:s6] =	stream.linear.scatter [tilespmem:s16], [sflag:$0x3], $0x4000, $0x38;
	[tilespmem:$0x1E800] =	vst v63  }
0x29: {  	_ =	swait.ge [sflag:s17], $0x4000  }
0x2a: {  	[sflag:s17] =	ssyncset.done $0x0  }
0x2b: {  	[sflag:s17] =	ssyncadd.s32 $0xFFFFC000  }
0x2c: {  	[spmem:s7] =	stream.linear.scatter [tilespmem:s16], [sflag:$0x3], $0x4000, $0x38;
	[tilespmem:$0x1E800] =	vst v63  }
0x2d: {  	_ =	swait.ge [sflag:s17], $0x4000  }
0x2e: {  	[sflag:s17] =	ssyncset.done $0x0  }
0x2f: {  	[sflag:s17] =	ssyncadd.s32 $0xFFFFC000  }
0x30: {  	[spmem:s8] =	stream.linear.scatter [tilespmem:s16], [sflag:$0x3], $0x4000, $0x38;
	[tilespmem:$0x1E800] =	vst v63  }
0x31: {  	_ =	swait.ge [sflag:s17], $0x4000  }
0x32: {  	[sflag:s17] =	ssyncset.done $0x0  }
0x33: {  	[sflag:s17] =	ssyncadd.s32 $0xFFFFC000  }
0x34: {  	[spmem:s9] =	stream.linear.scatter [tilespmem:s16], [sflag:$0x3], $0x4000, $0x38;
	[tilespmem:$0x1E800] =	vst v63  }
0x35: {  	_ =	swait.ge [sflag:s17], $0x4000  }
0x36: {  	[sflag:s17] =	ssyncset.done $0x0  }
0x37: {  	s30 =	simm.s32 $0x0;
	[sflag:s17] =	ssyncadd.s32 $0xFFFFC000  }
0x38: {  	[tilespmem:s30], [sflag:$0x3] =	stream.linear.gather [hbm4b:s10+s30], $0x1400, $0x38;
	[tilespmem:$0x1E800] =	vst v63  }
0x39: {  	_ =	swait.ge [sflag:s17], $0x1400  }
0x3a: {  	[sflag:s17] =	ssyncset.done $0x0  }
0x3b: {  	[sflag:s17] =	ssyncadd.s32 $0xFFFFEC00  }
0x3c: {  	[tilespmem:s18], [sflag:$0x3] =	stream.linear.gather [hbm4b:s11+s30], $0x1400, $0x38;
	[tilespmem:$0x1E800] =	vst v63  }
0x3d: {  	_ =	swait.ge [sflag:s17], $0x1400  }
0x3e: {  	[sflag:s17] =	ssyncset.done $0x0  }
0x3f: {  	[sflag:s17] =	ssyncadd.s32 $0xFFFFEC00  }
0x40: {  	[tilespmem:s16], [sflag:$0x1] =	stream.indirect.gather [hbm4b:s4+s19], $0x80, s30, s19, $0xb8;
	[tilespmem:$0x1E800] =	vst v63  }
0x41: {  	s31 =	simm.s32 $0x80;
	[bflag:$0x0] =	sbarrier.arrive $0xFFFF  }
0x42: {  	[tilespmem:s20], [sflag:$0x2] =	stream.indirect.gather [hbm4b:s4+s19], $0x80, s31, s19, $0xb8;
	[tilespmem:$0x1E800] =	vst v63  }
0x43: {  	_ =	swait.ge [sflag:s21], $0x4000  }
0x44: {  	[sflag:s21] =	ssyncset.done $0x0  }
0x45: {  	s29 =	simm.s32 $0x1400;
	[sflag:s21] =	ssyncadd.s32 $0xFFFFC000  }
0x46: {  	[spmem:s1] =	stream.indirect.scatter.add.f32 [tilespmem:s16], [sflag:$0x3], $0x80, s29, s19, $0xb8;
	[tilespmem:$0x1E800] =	vst v63  }
0x47: {  	_ =	swait.ge [sflag:s17], $0x4000  }
0x48: {  	[sflag:s17] =	ssyncset.done $0x0  }
0x49: {  	s30 =	simm.s32 $0x100;
	[sflag:s17] =	ssyncadd.s32 $0xFFFFC000  }
0x4a: {  	[tilespmem:s16], [sflag:$0x1] =	stream.indirect.gather [hbm4b:s4+s19], $0x80, s30, s19, $0xb8;
	[tilespmem:$0x1E800] =	vst v63  }
0x4b: {  	_ =	swait.ge [sflag:s22], $0x4000  }
0x4c: {  	[sflag:s22] =	ssyncset.done $0x0  }
0x4d: {  	s31 =	simm.s32 $0x1480;
	[sflag:s22] =	ssyncadd.s32 $0xFFFFC000  }
0x4e: {  	[spmem:s1] =	stream.indirect.scatter.add.f32 [tilespmem:s20], [sflag:$0x3], $0x80, s31, s19, $0xb8;
	[tilespmem:$0x1E800] =	vst v63  }
0x4f: {  	_ =	swait.ge [sflag:s17], $0x4000  }
0x50: {  	s28 =	simm.s32 $0x800;
	s26 =	simm.s32 $0x100;
	[sflag:s17] =	ssyncset.done $0x0  }
.LBB2_4:
0x51: {  	s29 =	sadd.s32 $0x80, s26  }
0x52: {  	[sflag:s17] =	ssyncadd.s32 $0xFFFFC000;
	s30 =	smov.u32 s28;
	s31 =	sadd.s32 $0x400, s28  }
0x53: {  	[tilespmem:s20], [sflag:$0x2] =	stream.indirect.gather [hbm4b:s4+s19], $0x80, s29, s19, $0xb8;
	[tilespmem:$0x1E800] =	vst v63  }
0x54: {  	p0 =	sne.s32 s28, $0x4800;
	_ =	swait.ge [sflag:s21], $0x4000  }
0x55: {  	[sflag:s21] =	ssyncset.done $0x0  }
0x56: {  	s28 =	sadd.s32 $0x1400, s26;
	[sflag:s21] =	ssyncadd.s32 $0xFFFFC000  }
0x57: {  	[spmem:s1] =	stream.indirect.scatter.add.f32 [tilespmem:s16], [sflag:$0x3], $0x80, s28, s19, $0xb8;
	[tilespmem:$0x1E800] =	vst v63  }
0x58: {  	_ =	swait.ge [sflag:s17], $0x4000  }
0x59: {  	[sflag:s17] =	ssyncset.done $0x0  }
0x5a: {  	s28 =	sadd.s32 $0x100, s26;
	[sflag:s17] =	ssyncadd.s32 $0xFFFFC000  }
0x5b: {  	[tilespmem:s16], [sflag:$0x1] =	stream.indirect.gather [hbm4b:s4+s19], $0x80, s28, s19, $0xb8;
	[tilespmem:$0x1E800] =	vst v63  }
0x5c: {  	_ =	swait.ge [sflag:s22], $0x4000  }
.Ltmp1:
0x5d: {  	[sflag:s22] =	ssyncset.done $0x0;
	(pc) =	sbr.rel @p0 .LBB2_4-.Ltmp1, $4  }
0x5e: {  	s26 =	sadd.s32 $0x1480, s26;
	[sflag:s22] =	ssyncadd.s32 $0xFFFFC000  }
0x5f: {  	[spmem:s1] =	stream.indirect.scatter.add.f32 [tilespmem:s20], [sflag:$0x3], $0x80, s26, s19, $0xb8;
	[tilespmem:$0x1E800] =	vst v63  }
0x60: {  	_ =	swait.ge [sflag:s17], $0x4000  }
0x61: {  	s28 =	smov.u32 s31;
	s26 =	sshra.s32 s30, $0x2;
	[sflag:s17] =	ssyncset.done $0x0  }
0x62: {  	s28 =	sadd.s32 $0x80, s26;
	[sflag:s17] =	ssyncadd.s32 $0xFFFFC000  }
0x63: {  	[tilespmem:s20], [sflag:$0x2] =	stream.indirect.gather [hbm4b:s4+s19], $0x80, s28, s19, $0xb8;
	[tilespmem:$0x1E800] =	vst v63  }
0x64: {  	_ =	swait.ge [sflag:s21], $0x4000  }
0x65: {  	[sflag:s21] =	ssyncset.done $0x0  }
0x66: {  	s28 =	sadd.s32 $0x1400, s26;
	[sflag:s21] =	ssyncadd.s32 $0xFFFFC000  }
0x67: {  	[spmem:s1] =	stream.indirect.scatter.add.f32 [tilespmem:s16], [sflag:$0x3], $0x80, s28, s19, $0xb8;
	[tilespmem:$0x1E800] =	vst v63  }
0x68: {  	_ =	swait.ge [sflag:s17], $0x4000  }
0x69: {  	[sflag:s17] =	ssyncset.done $0x0  }
0x6a: {  	s28 =	sadd.s32 $0x100, s26;
	[sflag:s17] =	ssyncadd.s32 $0xFFFFC000  }
0x6b: {  	[tilespmem:s16], [sflag:$0x1] =	stream.indirect.gather [hbm4b:s4+s19], $0x80, s28, s19, $0xb8;
	[tilespmem:$0x1E800] =	vst v63  }
0x6c: {  	_ =	swait.ge [sflag:s22], $0x4000  }
0x6d: {  	[sflag:s22] =	ssyncset.done $0x0  }
0x6e: {  	s29 =	sadd.s32 $0x1480, s26;
	[sflag:s22] =	ssyncadd.s32 $0xFFFFC000  }
0x6f: {  	[spmem:s1] =	stream.indirect.scatter.add.f32 [tilespmem:s20], [sflag:$0x3], $0x80, s29, s19, $0xb8;
	[tilespmem:$0x1E800] =	vst v63  }
0x70: {  	_ =	swait.ge [sflag:s17], $0x4000  }
0x71: {  	[sflag:s17] =	ssyncset.done $0x0  }
0x72: {  	[sflag:s17] =	ssyncadd.s32 $0xFFFFC000  }
0x73: {  	[tilespmem:s20], [sflag:$0x2] =	stream.indirect.gather [hbm4b:s4+s19], $0x80, s23, s19, $0xb8;
	[tilespmem:$0x1E800] =	vst v63  }
0x74: {  	_ =	swait.ge [sflag:s21], $0x4000  }
0x75: {  	[sflag:s21] =	ssyncset.done $0x0  }
0x76: {  	[sflag:s21] =	ssyncadd.s32 $0xFFFFC000  }
0x77: {  	[spmem:s1] =	stream.indirect.scatter.add.f32 [tilespmem:s16], [sflag:$0x3], $0x80, s24, s19, $0xb8;
	[tilespmem:$0x1E800] =	vst v63  }
0x78: {  	_ =	swait.ge [sflag:s17], $0x4000  }
0x79: {  	[sflag:s17] =	ssyncset.done $0x0  }
0x7a: {  	[sflag:s17] =	ssyncadd.s32 $0xFFFFC000  }
0x7b: {  	_ =	swait.ge [sflag:s22], $0x4000  }
0x7c: {  	[sflag:s22] =	ssyncset.done $0x0  }
0x7d: {  	[sflag:s22] =	ssyncadd.s32 $0xFFFFC000  }
0x7e: {  	[spmem:s1] =	stream.indirect.scatter.add.f32 [tilespmem:s20], [sflag:$0x3], $0x80, s25, s19, $0xb8;
	[tilespmem:$0x1E800] =	vst v63  }
0x7f: {  	_ =	swait.ge [sflag:s17], $0x4000  }
0x80: {  	[sflag:s17] =	ssyncset.done $0x0  }
0x81: {  	s30 =	simm.s32 $0x0;
	[sflag:s17] =	ssyncadd.s32 $0xFFFFC000  }
0x82: {  	[tilespmem:s30], [sflag:$0x3] =	stream.linear.gather [hbm4b:s12+s30], $0x1400, $0x38;
	[tilespmem:$0x1E800] =	vst v63  }
0x83: {  	_ =	swait.ge [sflag:s17], $0x1400  }
0x84: {  	[sflag:s17] =	ssyncset.done $0x0  }
0x85: {  	[sflag:s17] =	ssyncadd.s32 $0xFFFFEC00  }
0x86: {  	[tilespmem:s18], [sflag:$0x3] =	stream.linear.gather [hbm4b:s13+s30], $0x1400, $0x38;
	[tilespmem:$0x1E800] =	vst v63  }
0x87: {  	_ =	swait.ge [sflag:s17], $0x1400  }
0x88: {  	[sflag:s17] =	ssyncset.done $0x0  }
0x89: {  	[sflag:s17] =	ssyncadd.s32 $0xFFFFEC00  }
0x8a: {  	[tilespmem:s16], [sflag:$0x1] =	stream.indirect.gather [hbm4b:s4+s19], $0x80, s30, s19, $0xb8;
	[tilespmem:$0x1E800] =	vst v63  }
0x8b: {  	s31 =	simm.s32 $0x80  }
0x8c: {  	[tilespmem:s20], [sflag:$0x2] =	stream.indirect.gather [hbm4b:s4+s19], $0x80, s31, s19, $0xb8;
	[tilespmem:$0x1E800] =	vst v63  }
0x8d: {  	_ =	swait.ge [sflag:s21], $0x4000  }
0x8e: {  	[sflag:s21] =	ssyncset.done $0x0  }
0x8f: {  	s29 =	simm.s32 $0x1400;
	[sflag:s21] =	ssyncadd.s32 $0xFFFFC000  }
0x90: {  	[spmem:s1] =	stream.indirect.scatter.add.f32 [tilespmem:s16], [sflag:$0x3], $0x80, s29, s19, $0xb8;
	[tilespmem:$0x1E800] =	vst v63  }
0x91: {  	_ =	swait.ge [sflag:s17], $0x4000  }
0x92: {  	[sflag:s17] =	ssyncset.done $0x0  }
0x93: {  	s30 =	simm.s32 $0x100;
	[sflag:s17] =	ssyncadd.s32 $0xFFFFC000  }
0x94: {  	[tilespmem:s16], [sflag:$0x1] =	stream.indirect.gather [hbm4b:s4+s19], $0x80, s30, s19, $0xb8;
	[tilespmem:$0x1E800] =	vst v63  }
0x95: {  	_ =	swait.ge [sflag:s22], $0x4000  }
0x96: {  	[sflag:s22] =	ssyncset.done $0x0  }
0x97: {  	s31 =	simm.s32 $0x1480;
	[sflag:s22] =	ssyncadd.s32 $0xFFFFC000  }
0x98: {  	[spmem:s1] =	stream.indirect.scatter.add.f32 [tilespmem:s20], [sflag:$0x3], $0x80, s31, s19, $0xb8;
	[tilespmem:$0x1E800] =	vst v63  }
0x99: {  	_ =	swait.ge [sflag:s17], $0x4000  }
0x9a: {  	s26 =	simm.s32 $0x100;
	s28 =	simm.s32 $0x800;
	[sflag:s17] =	ssyncset.done $0x0  }
.LBB2_6:
0x9b: {  	s29 =	sadd.s32 $0x80, s26  }
0x9c: {  	[sflag:s17] =	ssyncadd.s32 $0xFFFFC000;
	s30 =	smov.u32 s28;
	s31 =	sadd.s32 $0x400, s28  }
0x9d: {  	[tilespmem:s20], [sflag:$0x2] =	stream.indirect.gather [hbm4b:s4+s19], $0x80, s29, s19, $0xb8;
	[tilespmem:$0x1E800] =	vst v63  }
0x9e: {  	p0 =	sne.s32 s28, $0x4800;
	_ =	swait.ge [sflag:s21], $0x4000  }
0x9f: {  	[sflag:s21] =	ssyncset.done $0x0  }
0xa0: {  	s28 =	sadd.s32 $0x1400, s26;
	[sflag:s21] =	ssyncadd.s32 $0xFFFFC000  }
0xa1: {  	[spmem:s1] =	stream.indirect.scatter.add.f32 [tilespmem:s16], [sflag:$0x3], $0x80, s28, s19, $0xb8;
	[tilespmem:$0x1E800] =	vst v63  }
0xa2: {  	_ =	swait.ge [sflag:s17], $0x4000  }
0xa3: {  	[sflag:s17] =	ssyncset.done $0x0  }
0xa4: {  	s28 =	sadd.s32 $0x100, s26;
	[sflag:s17] =	ssyncadd.s32 $0xFFFFC000  }
0xa5: {  	[tilespmem:s16], [sflag:$0x1] =	stream.indirect.gather [hbm4b:s4+s19], $0x80, s28, s19, $0xb8;
	[tilespmem:$0x1E800] =	vst v63  }
0xa6: {  	_ =	swait.ge [sflag:s22], $0x4000  }
.Ltmp2:
0xa7: {  	[sflag:s22] =	ssyncset.done $0x0;
	(pc) =	sbr.rel @p0 .LBB2_6-.Ltmp2, $4  }
0xa8: {  	s26 =	sadd.s32 $0x1480, s26;
	[sflag:s22] =	ssyncadd.s32 $0xFFFFC000  }
0xa9: {  	[spmem:s1] =	stream.indirect.scatter.add.f32 [tilespmem:s20], [sflag:$0x3], $0x80, s26, s19, $0xb8;
	[tilespmem:$0x1E800] =	vst v63  }
0xaa: {  	_ =	swait.ge [sflag:s17], $0x4000  }
0xab: {  	s28 =	smov.u32 s31;
	s26 =	sshra.s32 s30, $0x2;
	[sflag:s17] =	ssyncset.done $0x0  }
0xac: {  	s28 =	sadd.s32 $0x80, s26;
	[sflag:s17] =	ssyncadd.s32 $0xFFFFC000  }
0xad: {  	[tilespmem:s20], [sflag:$0x2] =	stream.indirect.gather [hbm4b:s4+s19], $0x80, s28, s19, $0xb8;
	[tilespmem:$0x1E800] =	vst v63  }
0xae: {  	_ =	swait.ge [sflag:s21], $0x4000  }
0xaf: {  	[sflag:s21] =	ssyncset.done $0x0  }
0xb0: {  	s30 =	sadd.s32 $0x1400, s26;
	[sflag:s21] =	ssyncadd.s32 $0xFFFFC000  }
0xb1: {  	[spmem:s1] =	stream.indirect.scatter.add.f32 [tilespmem:s16], [sflag:$0x3], $0x80, s30, s19, $0xb8;
	[tilespmem:$0x1E800] =	vst v63  }
0xb2: {  	_ =	swait.ge [sflag:s17], $0x4000  }
0xb3: {  	[sflag:s17] =	ssyncset.done $0x0  }
0xb4: {  	s31 =	sadd.s32 $0x100, s26;
	[sflag:s17] =	ssyncadd.s32 $0xFFFFC000  }
0xb5: {  	[tilespmem:s16], [sflag:$0x1] =	stream.indirect.gather [hbm4b:s4+s19], $0x80, s31, s19, $0xb8;
	[tilespmem:$0x1E800] =	vst v63  }
0xb6: {  	_ =	swait.ge [sflag:s22], $0x4000  }
0xb7: {  	[sflag:s22] =	ssyncset.done $0x0  }
0xb8: {  	s29 =	sadd.s32 $0x1480, s26;
	[sflag:s22] =	ssyncadd.s32 $0xFFFFC000  }
0xb9: {  	[spmem:s1] =	stream.indirect.scatter.add.f32 [tilespmem:s20], [sflag:$0x3], $0x80, s29, s19, $0xb8;
	[tilespmem:$0x1E800] =	vst v63  }
0xba: {  	_ =	swait.ge [sflag:s17], $0x4000  }
0xbb: {  	[sflag:s17] =	ssyncset.done $0x0  }
0xbc: {  	[sflag:s17] =	ssyncadd.s32 $0xFFFFC000  }
0xbd: {  	[tilespmem:s20], [sflag:$0x2] =	stream.indirect.gather [hbm4b:s4+s19], $0x80, s23, s19, $0xb8;
	[tilespmem:$0x1E800] =	vst v63  }
0xbe: {  	_ =	swait.ge [sflag:s21], $0x4000  }
0xbf: {  	[sflag:s21] =	ssyncset.done $0x0  }
0xc0: {  	[sflag:s21] =	ssyncadd.s32 $0xFFFFC000  }
0xc1: {  	[spmem:s1] =	stream.indirect.scatter.add.f32 [tilespmem:s16], [sflag:$0x3], $0x80, s24, s19, $0xb8;
	[tilespmem:$0x1E800] =	vst v63  }
0xc2: {  	_ =	swait.ge [sflag:s17], $0x4000  }
0xc3: {  	[sflag:s17] =	ssyncset.done $0x0  }
0xc4: {  	[sflag:s17] =	ssyncadd.s32 $0xFFFFC000  }
0xc5: {  	_ =	swait.ge [sflag:s22], $0x4000  }
0xc6: {  	[sflag:s22] =	ssyncset.done $0x0  }
0xc7: {  	[sflag:s22] =	ssyncadd.s32 $0xFFFFC000  }
0xc8: {  	[spmem:s1] =	stream.indirect.scatter.add.f32 [tilespmem:s20], [sflag:$0x3], $0x80, s25, s19, $0xb8;
	[tilespmem:$0x1E800] =	vst v63  }
0xc9: {  	_ =	swait.ge [sflag:s17], $0x4000  }
0xca: {  	s3 =	sadd.s32 $0x1, s3;
	s30 =	sshll.u32 s2, $0x6;
	[sflag:s17] =	ssyncset.done $0x0  }
0xcb: {  	p0 =	sne.s32 s3, s15;
	s26 =	sor.u32 $0x1C03, s30;
	[sflag:s17] =	ssyncadd.s32 $0xFFFFC000  }
.Ltmp3:
0xcc: {  	s31 =	sshrl.u32 s5, $0x3;
	[bflag:$0x0] =	sbarrier.arrive $0xFFFF;
	(pc) =	sbr.rel @p0 .LBB2_1-.Ltmp3, $4  }
0xcd: {  	[hbm:s14], [sflag:s26] =	dma.local [spmem:s31], $0x2800  }
0xce: {  	_ =	swait.ge [sflag:s17], $0x2800  }
0xcf: {  	[sflag:s17] =	ssyncset.done $0x0  }
0xd0: {  	[sflag:s17] =	ssyncadd.s32 $0xFFFFD800  }
0xd1: {  	_ =	sfence.sel $0x180000  }
0xd2: {  	[bflag:$0x0] =	sbarrier.arrive $0xFFFF  }
0xd3: {  	p0 =	sne.s32 s2, $0x0;
	_ =	strace $0x9000004A  }
0xd4: {  	s0 =	sadd.s32 @!p0 $0x100000, s0;
	[bflag:$0x2] =	sbarrier.arrive $0xFFFF  }
0xd5: {  	[sflag:s0] =	ssyncadd.tile.s32 @!p0 $0x1;
	_ =	shalt  }
.Lfunc_end2:
_tile_overlayer_lowered:
.L_overlay_start_2:
0xd6: {  	(tag) =	ssettag $0x2  }
0xd7: {  	s0 =	rddreg [dreg:$0x0];
	s2 =	stileid.u32  }
0xd8: {  	s1 =	rddreg [dreg:$0x1];
	p0 =	sne.s32 s2, $0x0  }
0xd9: {  	s3 =	rddreg [dreg:$0x2];
	[bflag:$0x3] =	sbarrier.arrive $0xFFFF;
	s2 =	simm.s32 @!p0 $0x1C03  }
0xda: {  	[timem:s3], [sflag:s2] =	dma.local @!p0 [hbm:s0], s1  }
0xdb: {  	s0 =	simm.s32 @!p0 $0x3  }
0xdc: {  	_ =	swait.ge @!p0 [sflag:s0], s1  }
0xdd: {  	s1 =	ssub.s32 @!p0 $0x0, s1;
	[sflag:s0] =	ssyncset.done @!p0 $0x0  }
0xde: {  	[sflag:s0] =	ssyncadd.s32 @!p0 s1  }
0xdf: {  	[bflag:$0x3] =	sbarrier.arrive $0xFFFF  }
0xe0: {  	_ =	shalt  }

</sc_bundles>
